<compile_context>
chip_gen: v7x
topology: tpu7x:2x2x1
jax: 0.10.2.dev20260603
libtpu: 0.0.44.dev20260713+nightly
codegen_flags: <defaults>
</compile_context>

<pallas_src>
import functools

import jax
import jax.numpy as jnp
from jax import lax
from jax.experimental import pallas as pl
from jax.experimental.pallas import tpu as pltpu
from jax.experimental.pallas import tpu_sc as plsc

N_NODES = 10000
N_EDGES = 320000
D = 128

NC = 2
NS = 16
CG = D // NS
E_HALF = N_EDGES // NC
E_CHUNK = 1280
N_CHUNKS = E_HALF // E_CHUNK
STEPS = E_CHUNK * CG // 16


def _sc_body(index_hbm, src_hbm, out_hbm, idxb, srcb, acc, sem0, sem1):
    c = lax.axis_index("c")
    s = lax.axis_index("s")
    col0 = s * CG
    e_base = c * E_HALF

    lanes = lax.iota(jnp.int32, 16)
    lane_col = lanes & 7
    lane_row = lanes >> 3
    m_lo = lanes < 8
    m_hi = lanes >= 8
    zeros16 = jnp.zeros((16,), jnp.float32)

    @plsc.parallel_loop(0, N_NODES // 2, unroll=8)
    def _(k):
        rowv = 2 * k + lane_row
        plsc.store_scatter(acc, [rowv, lane_col], zeros16)

    sems = (sem0, sem1)

    def window_src(chunk):
        e0 = e_base + chunk * E_CHUNK
        return (
            index_hbm.at[pl.ds(e0, E_CHUNK), pl.ds(col0, CG)],
            src_hbm.at[pl.ds(e0, E_CHUNK), pl.ds(col0, CG)],
        )

    def start(chunk, b):
        isrc, ssrc = window_src(chunk)
        pltpu.async_copy(isrc, idxb.at[b], sems[b])
        pltpu.async_copy(ssrc, srcb.at[b], sems[b])

    def wait(chunk, b):
        isrc, ssrc = window_src(chunk)
        pltpu.make_async_copy(isrc, idxb.at[b], sems[b]).wait()
        pltpu.make_async_copy(ssrc, srcb.at[b], sems[b]).wait()

    UNROLL = 8

    def compute(b):
        ib = idxb.at[b]
        sb = srcb.at[b]

        def step(k, _):
            base = lane_row + 2 * UNROLL * k
            for u in range(UNROLL):
                rowv = base + 2 * u
                iv = plsc.load_gather(ib, [rowv, lane_col])
                sv = plsc.load_gather(sb, [rowv, lane_col])
                plsc.addupdate_scatter(acc, [iv, lane_col], sv, mask=m_lo)
                plsc.addupdate_scatter(acc, [iv, lane_col], sv, mask=m_hi)
            return 0

        lax.fori_loop(0, STEPS // UNROLL, step, 0)

    start(0, 0)

    def ring(t, _):
        g0 = 2 * t
        wait(g0, 0)
        start(g0 + 1, 1)
        compute(0)
        wait(g0 + 1, 1)
        start(g0 + 2, 0)
        compute(1)
        return 0

    lax.fori_loop(0, N_CHUNKS // 2, ring, 0)
    wait(N_CHUNKS - 1, 0)
    compute(0)

    pltpu.sync_copy(acc, out_hbm.at[c, slice(None), pl.ds(col0, CG)])


_sc_mesh = plsc.VectorSubcoreMesh(core_axis_name="c", subcore_axis_name="s")

_sc_scatter = functools.partial(
    pl.kernel,
    mesh=_sc_mesh,
    out_type=jax.ShapeDtypeStruct((NC, N_NODES, D), jnp.float32),
    scratch_types=[
        pltpu.VMEM((2, E_CHUNK, CG), jnp.int32),
        pltpu.VMEM((2, E_CHUNK, CG), jnp.float32),
        pltpu.VMEM((N_NODES, CG), jnp.float32),
        pltpu.SemaphoreType.DMA,
        pltpu.SemaphoreType.DMA,
    ],
    compiler_params=pltpu.CompilerParams(
        use_tc_tiling_on_sc=False, needs_layout_passes=False
    ),
)(_sc_body)


ROWS_BLK = 2000


def _check_body(inp_ref, part_ref, flag_ref):
    @pl.when(pl.program_id(0) == 0)
    def _():
        flag_ref[0] = jnp.int32(0)

    total = inp_ref[...] + part_ref[0] + part_ref[1]

    @pl.when(jnp.any(total != total))
    def _():
        flag_ref[0] = jnp.int32(1)


def _nan_check(inp, partials):
    return pl.pallas_call(
        _check_body,
        grid=(N_NODES // ROWS_BLK,),
        in_specs=[
            pl.BlockSpec((ROWS_BLK, D), lambda r: (r, 0)),
            pl.BlockSpec((NC, ROWS_BLK, D), lambda r: (0, r, 0)),
        ],
        out_specs=pl.BlockSpec(memory_space=pltpu.SMEM),
        out_shape=jax.ShapeDtypeStruct((1,), jnp.int32),
    )(inp, partials)


@jax.jit
def kernel(input, index, src):
    partials = _sc_scatter(index, src)
    flag = _nan_check(input, partials)
    return flag == 0

# --- scband reference (transcript-rebuilt; emitter-appended) ---
"""Pipeline reference for scband-my-model-61933428415908 (READ-ONLY COPY).

The authoritative reference and input builder live on the scoring server;
editing this copy changes nothing except your own understanding.
"""

import jax, jax.numpy as jnp
import numpy as np


def scatter_reduce_sum_dim0(inp, index, src):
    # torch.scatter_reduce(input, 0, index, src, 'sum') with include_self=True (default):
    # out[index[i][j]][j] += src[i][j], starting from out = input
    cols = jnp.broadcast_to(jnp.arange(src.shape[1])[None, :], src.shape)
    return inp.at[index, cols].add(src)


def setup_inputs(seed: int = 0) -> dict:
    key = jax.random.key(seed)
    k1, k2, k3 = jax.random.split(key, 3)
    n_nodes, n_edges, d = 10000, 320000, 128
    inp = jax.random.normal(k1, (n_nodes, d), dtype=jnp.float32)
    src = jax.random.normal(k2, (n_edges, d), dtype=jnp.float32)
    index = jnp.sort(jax.random.randint(k3, (n_edges, d), 0, n_nodes, dtype=jnp.int32))
    return {"input": inp, "index": index, "src": src}


def reference(input, index, src):
    # Faithful translation: the torch module runs scatter_reduce twice
    # (compiled and eager) and returns allclose(compiled, normal).unsqueeze(0).
    compiled_out = scatter_reduce_sum_dim0(input, index, src)
    normal_out = scatter_reduce_sum_dim0(input, index, src)
    return jnp.allclose(compiled_out, normal_out)[None]

if __name__ == "__main__":
    import jax
    _d = setup_inputs()
    print(jax.jit(kernel)(*tuple(_d.values())))

</pallas_src>

<mosaic_0001>
#map = affine_map<(d0, d1) -> (0, 0)>
#map1 = affine_map<(d0, d1) -> (0, 0, 0)>
module attributes {stable_mosaic.version = 14 : i64} {
  func.func @_sc_body(%arg0: i32, %arg1: i32, %arg2: memref<320000x128xi32, #tpu.memory_space<hbm>>, %arg3: memref<320000x128xf32, #tpu.memory_space<hbm>>, %arg4: memref<2x10000x128xf32, #tpu.memory_space<hbm>>, %arg5: memref<2x1280x8xi32, #tpu.memory_space<vmem>>, %arg6: memref<2x1280x8xf32, #tpu.memory_space<vmem>>, %arg7: memref<10000x8xf32, #tpu.memory_space<vmem>>, %arg8: memref<!tpu.dma_semaphore, #tpu.memory_space<semaphore_mem>>, %arg9: memref<!tpu.dma_semaphore, #tpu.memory_space<semaphore_mem>>) attributes {dimension_semantics = [#tpu.dimension_semantics<core_parallel>, #tpu.dimension_semantics<subcore_parallel>], iteration_bounds = array<i64: 2, 16>, scalar_prefetch = 0 : i64, scratch_operands = 5 : i64, tpu.core_type = #tpu.core_type<sc_vector_subcore>, window_params = [{transform_indices = #map}, {transform_indices = #map}, {transform_indices = #map1}]} {
    %mul3A = arith.constant 8 : i32
    %mul3A_0 = arith.muli %arg1, %mul3A : i32
    %mul3A_1 = arith.constant 160000 : i32
    %mul3A_2 = arith.muli %arg0, %mul3A_1 : i32
    %iota3A = tpu.iota {dimensions = array<i32: 0>} : vector<16xi32>
    %and3A = arith.constant 7 : i32
    %and3A_3 = vector.broadcast %and3A : i32 to vector<16xi32>
    %and3A_4 = arith.andi %iota3A, %and3A_3 : vector<16xi32>
    %shift_right_arithmetic3A = arith.constant 3 : i32
    %shift_right_arithmetic3A_5 = vector.broadcast %shift_right_arithmetic3A : i32 to vector<16xi32>
    %shift_right_arithmetic3A_6 = arith.shrsi %iota3A, %shift_right_arithmetic3A_5 : vector<16xi32>
    %lt3A = arith.constant 8 : i32
    %lt3A_7 = vector.broadcast %lt3A : i32 to vector<16xi32>
    %lt3A_8 = arith.cmpi slt, %iota3A, %lt3A_7 : vector<16xi32>
    %ge3A = arith.constant 8 : i32
    %ge3A_9 = vector.broadcast %ge3A : i32 to vector<16xi32>
    %ge3A_10 = arith.cmpi sge, %iota3A, %ge3A_9 : vector<16xi32>
    %broadcast_in_dim3A = arith.constant 0.000000e+00 : f32
    %broadcast_in_dim3A_11 = vector.broadcast %broadcast_in_dim3A : f32 to vector<16xf32>
    %parallel_loop3A = arith.constant 0 : i32
    %parallel_loop3A_12 = arith.constant 5000 : i32
    %parallel_loop3A_13 = arith.constant 1 : i32
    scf.for %parallel_loop3A_74 = %parallel_loop3A to %parallel_loop3A_12 step %parallel_loop3A_13  : i32 {
      %parallel_loop3A_75 = arith.constant 2 : i32
      %parallel_loop3A_76 = arith.muli %parallel_loop3A_75, %parallel_loop3A_74 : i32
      %parallel_loop3A_77 = vector.broadcast %parallel_loop3A_76 : i32 to vector<16xi32>
      %parallel_loop3A_78 = arith.addi %parallel_loop3A_77, %shift_right_arithmetic3A_6 : vector<16xi32>
      tpu.vector_store_idx %arg7[%parallel_loop3A_78, %and3A_4], %broadcast_in_dim3A_11 : memref<10000x8xf32, #tpu.memory_space<vmem>>[vector<16xi32>, vector<16xi32>], vector<16xf32>,
    } {sc.loop_unroll_factor = 8 : i64, sc.parallel_access}
    %add3A = arith.constant 0 : i32
    %add3A_14 = arith.addi %mul3A_2, %add3A : i32
    %dma_start3A = arith.constant 0 : i32
    %dma_start3A_15 = arith.constant 0 : i32
    %dma_start3A_16 = arith.constant 0 : i32
    %dma_start3A_17 = tpu.memref_slice %arg5[%dma_start3A, %dma_start3A_15, %dma_start3A_16] : memref<2x1280x8xi32, #tpu.memory_space<vmem>> -> memref<1x1280x8xi32, #tpu.memory_space<vmem>>
    %dma_start3A_18 = tpu.memref_squeeze %dma_start3A_17 : memref<1x1280x8xi32, #tpu.memory_space<vmem>> -> memref<1280x8xi32, #tpu.memory_space<vmem>>
    %dma_start3A_19 = tpu.memref_slice %arg2[%add3A_14, %mul3A_0] : memref<320000x128xi32, #tpu.memory_space<hbm>> -> memref<1280x8xi32, #tpu.memory_space<hbm>>
    %dma_start3A_20 = arith.constant 0 : i32
    %dma_start3A_21 = arith.constant 0 : i32
    %dma_start3A_22 = tpu.memref_slice %arg5[%dma_start3A, %dma_start3A_20, %dma_start3A_21] : memref<2x1280x8xi32, #tpu.memory_space<vmem>> -> memref<1x1280x8xi32, #tpu.memory_space<vmem>>
    %dma_start3A_23 = tpu.memref_squeeze %dma_start3A_22 : memref<1x1280x8xi32, #tpu.memory_space<vmem>> -> memref<1280x8xi32, #tpu.memory_space<vmem>>
    %dma_start3A_24 = tpu.memref_slice %arg2[%add3A_14, %mul3A_0] : memref<320000x128xi32, #tpu.memory_space<hbm>> -> memref<1280x8xi32, #tpu.memory_space<hbm>>
    tpu.enqueue_dma source(%dma_start3A_24 : memref<1280x8xi32, #tpu.memory_space<hbm>>) target(%dma_start3A_23 : memref<1280x8xi32, #tpu.memory_space<vmem>>) target_semaphore(%arg8 : memref<!tpu.dma_semaphore, #tpu.memory_space<semaphore_mem>>)
    %dma_start3A_25 = arith.constant 0 : i32
    %dma_start3A_26 = arith.constant 0 : i32
    %dma_start3A_27 = arith.constant 0 : i32
    %dma_start3A_28 = tpu.memref_slice %arg6[%dma_start3A_25, %dma_start3A_26, %dma_start3A_27] : memref<2x1280x8xf32, #tpu.memory_space<vmem>> -> memref<1x1280x8xf32, #tpu.memory_space<vmem>>
    %dma_start3A_29 = tpu.memref_squeeze %dma_start3A_28 : memref<1x1280x8xf32, #tpu.memory_space<vmem>> -> memref<1280x8xf32, #tpu.memory_space<vmem>>
    %dma_start3A_30 = tpu.memref_slice %arg3[%add3A_14, %mul3A_0] : memref<320000x128xf32, #tpu.memory_space<hbm>> -> memref<1280x8xf32, #tpu.memory_space<hbm>>
    %dma_start3A_31 = arith.constant 0 : i32
    %dma_start3A_32 = arith.constant 0 : i32
    %dma_start3A_33 = tpu.memref_slice %arg6[%dma_start3A_25, %dma_start3A_31, %dma_start3A_32] : memref<2x1280x8xf32, #tpu.memory_space<vmem>> -> memref<1x1280x8xf32, #tpu.memory_space<vmem>>
    %dma_start3A_34 = tpu.memref_squeeze %dma_start3A_33 : memref<1x1280x8xf32, #tpu.memory_space<vmem>> -> memref<1280x8xf32, #tpu.memory_space<vmem>>
    %dma_start3A_35 = tpu.memref_slice %arg3[%add3A_14, %mul3A_0] : memref<320000x128xf32, #tpu.memory_space<hbm>> -> memref<1280x8xf32, #tpu.memory_space<hbm>>
    tpu.enqueue_dma source(%dma_start3A_35 : memref<1280x8xf32, #tpu.memory_space<hbm>>) target(%dma_start3A_34 : memref<1280x8xf32, #tpu.memory_space<vmem>>) target_semaphore(%arg8 : memref<!tpu.dma_semaphore, #tpu.memory_space<semaphore_mem>>)
    %scan3A = arith.constant 0 : i32
    %scan3A_36 = arith.constant 0 : i32
    %scan3A_37 = arith.constant 62 : i32
    %scan3A_38 = arith.addi %scan3A_36, %scan3A_37 : i32
    %scan3A_39 = arith.constant 1 : i32
    %scan3A_40 = scf.for %scan3A_74 = %scan3A_36 to %scan3A_38 step %scan3A_39 iter_args(%scan3A_75 = %scan3A) -> (i32)  : i32 {
      %mul3A_76 = arith.constant 2 : i32
      %mul3A_77 = arith.muli %mul3A_76, %scan3A_74 : i32
      %mul3A_78 = arith.constant 1280 : i32
      %mul3A_79 = arith.muli %mul3A_77, %mul3A_78 : i32
      %add3A_80 = arith.addi %mul3A_2, %mul3A_79 : i32
      %dma_wait3A_81 = arith.constant 0 : i32
      %dma_wait3A_82 = arith.constant 0 : i32
      %dma_wait3A_83 = arith.constant 0 : i32
      %dma_wait3A_84 = tpu.memref_slice %arg5[%dma_wait3A_81, %dma_wait3A_82, %dma_wait3A_83] : memref<2x1280x8xi32, #tpu.memory_space<vmem>> -> memref<1x1280x8xi32, #tpu.memory_space<vmem>>
      %dma_wait3A_85 = tpu.memref_squeeze %dma_wait3A_84 : memref<1x1280x8xi32, #tpu.memory_space<vmem>> -> memref<1280x8xi32, #tpu.memory_space<vmem>>
      %dma_wait3A_86 = tpu.memref_slice %arg2[%add3A_80, %mul3A_0] : memref<320000x128xi32, #tpu.memory_space<hbm>> -> memref<1280x8xi32, #tpu.memory_space<hbm>>
      %dma_wait3A_87 = arith.constant 0 : i32
      %dma_wait3A_88 = arith.constant 0 : i32
      %dma_wait3A_89 = tpu.memref_slice %arg5[%dma_wait3A_81, %dma_wait3A_87, %dma_wait3A_88] : memref<2x1280x8xi32, #tpu.memory_space<vmem>> -> memref<1x1280x8xi32, #tpu.memory_space<vmem>>
      %dma_wait3A_90 = tpu.memref_squeeze %dma_wait3A_89 : memref<1x1280x8xi32, #tpu.memory_space<vmem>> -> memref<1280x8xi32, #tpu.memory_space<vmem>>
      %dma_wait3A_91 = tpu.memref_slice %arg2[%add3A_80, %mul3A_0] : memref<320000x128xi32, #tpu.memory_space<hbm>> -> memref<1280x8xi32, #tpu.memory_space<hbm>>
      tpu.wait_dma2 semaphore(%arg8 : memref<!tpu.dma_semaphore, #tpu.memory_space<semaphore_mem>>) src(%dma_wait3A_91 : memref<1280x8xi32, #tpu.memory_space<hbm>>) dst(%dma_wait3A_90 : memref<1280x8xi32, #tpu.memory_space<vmem>>)
      %dma_wait3A_92 = arith.constant 0 : i32
      %dma_wait3A_93 = arith.constant 0 : i32
      %dma_wait3A_94 = arith.constant 0 : i32
      %dma_wait3A_95 = tpu.memref_slice %arg6[%dma_wait3A_92, %dma_wait3A_93, %dma_wait3A_94] : memref<2x1280x8xf32, #tpu.memory_space<vmem>> -> memref<1x1280x8xf32, #tpu.memory_space<vmem>>
      %dma_wait3A_96 = tpu.memref_squeeze %dma_wait3A_95 : memref<1x1280x8xf32, #tpu.memory_space<vmem>> -> memref<1280x8xf32, #tpu.memory_space<vmem>>
      %dma_wait3A_97 = tpu.memref_slice %arg3[%add3A_80, %mul3A_0] : memref<320000x128xf32, #tpu.memory_space<hbm>> -> memref<1280x8xf32, #tpu.memory_space<hbm>>
      %dma_wait3A_98 = arith.constant 0 : i32
      %dma_wait3A_99 = arith.constant 0 : i32
      %dma_wait3A_100 = tpu.memref_slice %arg6[%dma_wait3A_92, %dma_wait3A_98, %dma_wait3A_99] : memref<2x1280x8xf32, #tpu.memory_space<vmem>> -> memref<1x1280x8xf32, #tpu.memory_space<vmem>>
      %dma_wait3A_101 = tpu.memref_squeeze %dma_wait3A_100 : memref<1x1280x8xf32, #tpu.memory_space<vmem>> -> memref<1280x8xf32, #tpu.memory_space<vmem>>
      %dma_wait3A_102 = tpu.memref_slice %arg3[%add3A_80, %mul3A_0] : memref<320000x128xf32, #tpu.memory_space<hbm>> -> memref<1280x8xf32, #tpu.memory_space<hbm>>
      tpu.wait_dma2 semaphore(%arg8 : memref<!tpu.dma_semaphore, #tpu.memory_space<semaphore_mem>>) src(%dma_wait3A_102 : memref<1280x8xf32, #tpu.memory_space<hbm>>) dst(%dma_wait3A_101 : memref<1280x8xf32, #tpu.memory_space<vmem>>)
      %add3A_103 = arith.constant 1 : i32
      %add3A_104 = arith.addi %mul3A_77, %add3A_103 : i32
      %mul3A_105 = arith.constant 1280 : i32
      %mul3A_106 = arith.muli %add3A_104, %mul3A_105 : i32
      %add3A_107 = arith.addi %mul3A_2, %mul3A_106 : i32
      %dma_start3A_108 = arith.constant 1 : i32
      %dma_start3A_109 = arith.constant 0 : i32
      %dma_start3A_110 = arith.constant 0 : i32
      %dma_start3A_111 = tpu.memref_slice %arg5[%dma_start3A_108, %dma_start3A_109, %dma_start3A_110] : memref<2x1280x8xi32, #tpu.memory_space<vmem>> -> memref<1x1280x8xi32, #tpu.memory_space<vmem>>
      %dma_start3A_112 = tpu.memref_squeeze %dma_start3A_111 : memref<1x1280x8xi32, #tpu.memory_space<vmem>> -> memref<1280x8xi32, #tpu.memory_space<vmem>>
      %dma_start3A_113 = tpu.memref_slice %arg2[%add3A_107, %mul3A_0] : memref<320000x128xi32, #tpu.memory_space<hbm>> -> memref<1280x8xi32, #tpu.memory_space<hbm>>
      %dma_start3A_114 = arith.constant 0 : i32
      %dma_start3A_115 = arith.constant 0 : i32
      %dma_start3A_116 = tpu.memref_slice %arg5[%dma_start3A_108, %dma_start3A_114, %dma_start3A_115] : memref<2x1280x8xi32, #tpu.memory_space<vmem>> -> memref<1x1280x8xi32, #tpu.memory_space<vmem>>
      %dma_start3A_117 = tpu.memref_squeeze %dma_start3A_116 : memref<1x1280x8xi32, #tpu.memory_space<vmem>> -> memref<1280x8xi32, #tpu.memory_space<vmem>>
      %dma_start3A_118 = tpu.memref_slice %arg2[%add3A_107, %mul3A_0] : memref<320000x128xi32, #tpu.memory_space<hbm>> -> memref<1280x8xi32, #tpu.memory_space<hbm>>
      tpu.enqueue_dma source(%dma_start3A_118 : memref<1280x8xi32, #tpu.memory_space<hbm>>) target(%dma_start3A_117 : memref<1280x8xi32, #tpu.memory_space<vmem>>) target_semaphore(%arg9 : memref<!tpu.dma_semaphore, #tpu.memory_space<semaphore_mem>>)
      %dma_start3A_119 = arith.constant 1 : i32
      %dma_start3A_120 = arith.constant 0 : i32
      %dma_start3A_121 = arith.constant 0 : i32
      %dma_start3A_122 = tpu.memref_slice %arg6[%dma_start3A_119, %dma_start3A_120, %dma_start3A_121] : memref<2x1280x8xf32, #tpu.memory_space<vmem>> -> memref<1x1280x8xf32, #tpu.memory_space<vmem>>
      %dma_start3A_123 = tpu.memref_squeeze %dma_start3A_122 : memref<1x1280x8xf32, #tpu.memory_space<vmem>> -> memref<1280x8xf32, #tpu.memory_space<vmem>>
      %dma_start3A_124 = tpu.memref_slice %arg3[%add3A_107, %mul3A_0] : memref<320000x128xf32, #tpu.memory_space<hbm>> -> memref<1280x8xf32, #tpu.memory_space<hbm>>
      %dma_start3A_125 = arith.constant 0 : i32
      %dma_start3A_126 = arith.constant 0 : i32
      %dma_start3A_127 = tpu.memref_slice %arg6[%dma_start3A_119, %dma_start3A_125, %dma_start3A_126] : memref<2x1280x8xf32, #tpu.memory_space<vmem>> -> memref<1x1280x8xf32, #tpu.memory_space<vmem>>
      %dma_start3A_128 = tpu.memref_squeeze %dma_start3A_127 : memref<1x1280x8xf32, #tpu.memory_space<vmem>> -> memref<1280x8xf32, #tpu.memory_space<vmem>>
      %dma_start3A_129 = tpu.memref_slice %arg3[%add3A_107, %mul3A_0] : memref<320000x128xf32, #tpu.memory_space<hbm>> -> memref<1280x8xf32, #tpu.memory_space<hbm>>
      tpu.enqueue_dma source(%dma_start3A_129 : memref<1280x8xf32, #tpu.memory_space<hbm>>) target(%dma_start3A_128 : memref<1280x8xf32, #tpu.memory_space<vmem>>) target_semaphore(%arg9 : memref<!tpu.dma_semaphore, #tpu.memory_space<semaphore_mem>>)
      %scan3A_130 = arith.constant 0 : i32
      %scan3A_131 = arith.constant 0 : i32
      %scan3A_132 = arith.constant 0 : i32
      %scan3A_133 = arith.constant 0 : i32
      %scan3A_134 = arith.constant 80 : i32
      %scan3A_135 = arith.addi %scan3A_133, %scan3A_134 : i32
      %scan3A_136 = arith.constant 1 : i32
      %scan3A_137 = scf.for %scan3A_203 = %scan3A_133 to %scan3A_135 step %scan3A_136 iter_args(%scan3A_204 = %scan3A_132) -> (i32)  : i32 {
        %mul3A_205 = arith.constant 16 : i32
        %mul3A_206 = arith.muli %mul3A_205, %scan3A_203 : i32
        %add3A_207 = vector.broadcast %mul3A_206 : i32 to vector<16xi32>
        %add3A_208 = arith.addi %shift_right_arithmetic3A_6, %add3A_207 : vector<16xi32>
        %add3A_209 = arith.constant 0 : i32
        %add3A_210 = vector.broadcast %add3A_209 : i32 to vector<16xi32>
        %add3A_211 = arith.addi %add3A_208, %add3A_210 : vector<16xi32>
        %gather3A = arith.constant 0 : i32
        %gather3A_212 = arith.constant 0 : i32
        %gather3A_213 = tpu.memref_slice %arg5[%scan3A_130, %gather3A, %gather3A_212] : memref<2x1280x8xi32, #tpu.memory_space<vmem>> -> memref<1x1280x8xi32, #tpu.memory_space<vmem>>
        %gather3A_214 = tpu.memref_squeeze %gather3A_213 : memref<1x1280x8xi32, #tpu.memory_space<vmem>> -> memref<1280x8xi32, #tpu.memory_space<vmem>>
        %gather3A_215 = tpu.vector_load_idx %gather3A_214[%add3A_211, %and3A_4] : memref<1280x8xi32, #tpu.memory_space<vmem>>[vector<16xi32>, vector<16xi32>], vector<16xi32>,
        %gather3A_216 = arith.constant 0 : i32
        %gather3A_217 = arith.constant 0 : i32
        %gather3A_218 = tpu.memref_slice %arg6[%scan3A_131, %gather3A_216, %gather3A_217] : memref<2x1280x8xf32, #tpu.memory_space<vmem>> -> memref<1x1280x8xf32, #tpu.memory_space<vmem>>
        %gather3A_219 = tpu.memref_squeeze %gather3A_218 : memref<1x1280x8xf32, #tpu.memory_space<vmem>> -> memref<1280x8xf32, #tpu.memory_space<vmem>>
        %gather3A_220 = tpu.vector_load_idx %gather3A_219[%add3A_211, %and3A_4] : memref<1280x8xf32, #tpu.memory_space<vmem>>[vector<16xi32>, vector<16xi32>], vector<16xf32>,
        tpu.vector_store_idx %arg7[%gather3A_215, %and3A_4], %gather3A_220 masked %lt3A_8 {add = true} : memref<10000x8xf32, #tpu.memory_space<vmem>>[vector<16xi32>, vector<16xi32>], vector<16xf32>, vector<16xi1>
        tpu.vector_store_idx %arg7[%gather3A_215, %and3A_4], %gather3A_220 masked %ge3A_10 {add = true} : memref<10000x8xf32, #tpu.memory_space<vmem>>[vector<16xi32>, vector<16xi32>], vector<16xf32>, vector<16xi1>
        %add3A_221 = arith.constant 2 : i32
        %add3A_222 = vector.broadcast %add3A_221 : i32 to vector<16xi32>
        %add3A_223 = arith.addi %add3A_208, %add3A_222 : vector<16xi32>
        %gather3A_224 = arith.constant 0 : i32
        %gather3A_225 = arith.constant 0 : i32
        %gather3A_226 = tpu.memref_slice %arg5[%scan3A_130, %gather3A_224, %gather3A_225] : memref<2x1280x8xi32, #tpu.memory_space<vmem>> -> memref<1x1280x8xi32, #tpu.memory_space<vmem>>
        %gather3A_227 = tpu.memref_squeeze %gather3A_226 : memref<1x1280x8xi32, #tpu.memory_space<vmem>> -> memref<1280x8xi32, #tpu.memory_space<vmem>>
        %gather3A_228 = tpu.vector_load_idx %gather3A_227[%add3A_223, %and3A_4] : memref<1280x8xi32, #tpu.memory_space<vmem>>[vector<16xi32>, vector<16xi32>], vector<16xi32>,
        %gather3A_229 = arith.constant 0 : i32
        %gather3A_230 = arith.constant 0 : i32
        %gather3A_231 = tpu.memref_slice %arg6[%scan3A_131, %gather3A_229, %gather3A_230] : memref<2x1280x8xf32, #tpu.memory_space<vmem>> -> memref<1x1280x8xf32, #tpu.memory_space<vmem>>
        %gather3A_232 = tpu.memref_squeeze %gather3A_231 : memref<1x1280x8xf32, #tpu.memory_space<vmem>> -> memref<1280x8xf32, #tpu.memory_space<vmem>>
        %gather3A_233 = tpu.vector_load_idx %gather3A_232[%add3A_223, %and3A_4] : memref<1280x8xf32, #tpu.memory_space<vmem>>[vector<16xi32>, vector<16xi32>], vector<16xf32>,
        tpu.vector_store_idx %arg7[%gather3A_228, %and3A_4], %gather3A_233 masked %lt3A_8 {add = true} : memref<10000x8xf32, #tpu.memory_space<vmem>>[vector<16xi32>, vector<16xi32>], vector<16xf32>, vector<16xi1>
        tpu.vector_store_idx %arg7[%gather3A_228, %and3A_4], %gather3A_233 masked %ge3A_10 {add = true} : memref<10000x8xf32, #tpu.memory_space<vmem>>[vector<16xi32>, vector<16xi32>], vector<16xf32>, vector<16xi1>
        %add3A_234 = arith.constant 4 : i32
        %add3A_235 = vector.broadcast %add3A_234 : i32 to vector<16xi32>
        %add3A_236 = arith.addi %add3A_208, %add3A_235 : vector<16xi32>
        %gather3A_237 = arith.constant 0 : i32
        %gather3A_238 = arith.constant 0 : i32
        %gather3A_239 = tpu.memref_slice %arg5[%scan3A_130, %gather3A_237, %gather3A_238] : memref<2x1280x8xi32, #tpu.memory_space<vmem>> -> memref<1x1280x8xi32, #tpu.memory_space<vmem>>
        %gather3A_240 = tpu.memref_squeeze %gather3A_239 : memref<1x1280x8xi32, #tpu.memory_space<vmem>> -> memref<1280x8xi32, #tpu.memory_space<vmem>>
        %gather3A_241 = tpu.vector_load_idx %gather3A_240[%add3A_236, %and3A_4] : memref<1280x8xi32, #tpu.memory_space<vmem>>[vector<16xi32>, vector<16xi32>], vector<16xi32>,
        %gather3A_242 = arith.constant 0 : i32
        %gather3A_243 = arith.constant 0 : i32
        %gather3A_244 = tpu.memref_slice %arg6[%scan3A_131, %gather3A_242, %gather3A_243] : memref<2x1280x8xf32, #tpu.memory_space<vmem>> -> memref<1x1280x8xf32, #tpu.memory_space<vmem>>
        %gather3A_245 = tpu.memref_squeeze %gather3A_244 : memref<1x1280x8xf32, #tpu.memory_space<vmem>> -> memref<1280x8xf32, #tpu.memory_space<vmem>>
        %gather3A_246 = tpu.vector_load_idx %gather3A_245[%add3A_236, %and3A_4] : memref<1280x8xf32, #tpu.memory_space<vmem>>[vector<16xi32>, vector<16xi32>], vector<16xf32>,
        tpu.vector_store_idx %arg7[%gather3A_241, %and3A_4], %gather3A_246 masked %lt3A_8 {add = true} : memref<10000x8xf32, #tpu.memory_space<vmem>>[vector<16xi32>, vector<16xi32>], vector<16xf32>, vector<16xi1>
        tpu.vector_store_idx %arg7[%gather3A_241, %and3A_4], %gather3A_246 masked %ge3A_10 {add = true} : memref<10000x8xf32, #tpu.memory_space<vmem>>[vector<16xi32>, vector<16xi32>], vector<16xf32>, vector<16xi1>
        %add3A_247 = arith.constant 6 : i32
        %add3A_248 = vector.broadcast %add3A_247 : i32 to vector<16xi32>
        %add3A_249 = arith.addi %add3A_208, %add3A_248 : vector<16xi32>
        %gather3A_250 = arith.constant 0 : i32
        %gather3A_251 = arith.constant 0 : i32
        %gather3A_252 = tpu.memref_slice %arg5[%scan3A_130, %gather3A_250, %gather3A_251] : memref<2x1280x8xi32, #tpu.memory_space<vmem>> -> memref<1x1280x8xi32, #tpu.memory_space<vmem>>
        %gather3A_253 = tpu.memref_squeeze %gather3A_252 : memref<1x1280x8xi32, #tpu.memory_space<vmem>> -> memref<1280x8xi32, #tpu.memory_space<vmem>>
        %gather3A_254 = tpu.vector_load_idx %gather3A_253[%add3A_249, %and3A_4] : memref<1280x8xi32, #tpu.memory_space<vmem>>[vector<16xi32>, vector<16xi32>], vector<16xi32>,
        %gather3A_255 = arith.constant 0 : i32
        %gather3A_256 = arith.constant 0 : i32
        %gather3A_257 = tpu.memref_slice %arg6[%scan3A_131, %gather3A_255, %gather3A_256] : memref<2x1280x8xf32, #tpu.memory_space<vmem>> -> memref<1x1280x8xf32, #tpu.memory_space<vmem>>
        %gather3A_258 = tpu.memref_squeeze %gather3A_257 : memref<1x1280x8xf32, #tpu.memory_space<vmem>> -> memref<1280x8xf32, #tpu.memory_space<vmem>>
        %gather3A_259 = tpu.vector_load_idx %gather3A_258[%add3A_249, %and3A_4] : memref<1280x8xf32, #tpu.memory_space<vmem>>[vector<16xi32>, vector<16xi32>], vector<16xf32>,
        tpu.vector_store_idx %arg7[%gather3A_254, %and3A_4], %gather3A_259 masked %lt3A_8 {add = true} : memref<10000x8xf32, #tpu.memory_space<vmem>>[vector<16xi32>, vector<16xi32>], vector<16xf32>, vector<16xi1>
        tpu.vector_store_idx %arg7[%gather3A_254, %and3A_4], %gather3A_259 masked %ge3A_10 {add = true} : memref<10000x8xf32, #tpu.memory_space<vmem>>[vector<16xi32>, vector<16xi32>], vector<16xf32>, vector<16xi1>
        %add3A_260 = arith.constant 8 : i32
        %add3A_261 = vector.broadcast %add3A_260 : i32 to vector<16xi32>
        %add3A_262 = arith.addi %add3A_208, %add3A_261 : vector<16xi32>
        %gather3A_263 = arith.constant 0 : i32
        %gather3A_264 = arith.constant 0 : i32
        %gather3A_265 = tpu.memref_slice %arg5[%scan3A_130, %gather3A_263, %gather3A_264] : memref<2x1280x8xi32, #tpu.memory_space<vmem>> -> memref<1x1280x8xi32, #tpu.memory_space<vmem>>
        %gather3A_266 = tpu.memref_squeeze %gather3A_265 : memref<1x1280x8xi32, #tpu.memory_space<vmem>> -> memref<1280x8xi32, #tpu.memory_space<vmem>>
        %gather3A_267 = tpu.vector_load_idx %gather3A_266[%add3A_262, %and3A_4] : memref<1280x8xi32, #tpu.memory_space<vmem>>[vector<16xi32>, vector<16xi32>], vector<16xi32>,
        %gather3A_268 = arith.constant 0 : i32
        %gather3A_269 = arith.constant 0 : i32
        %gather3A_270 = tpu.memref_slice %arg6[%scan3A_131, %gather3A_268, %gather3A_269] : memref<2x1280x8xf32, #tpu.memory_space<vmem>> -> memref<1x1280x8xf32, #tpu.memory_space<vmem>>
        %gather3A_271 = tpu.memref_squeeze %gather3A_270 : memref<1x1280x8xf32, #tpu.memory_space<vmem>> -> memref<1280x8xf32, #tpu.memory_space<vmem>>
        %gather3A_272 = tpu.vector_load_idx %gather3A_271[%add3A_262, %and3A_4] : memref<1280x8xf32, #tpu.memory_space<vmem>>[vector<16xi32>, vector<16xi32>], vector<16xf32>,
        tpu.vector_store_idx %arg7[%gather3A_267, %and3A_4], %gather3A_272 masked %lt3A_8 {add = true} : memref<10000x8xf32, #tpu.memory_space<vmem>>[vector<16xi32>, vector<16xi32>], vector<16xf32>, vector<16xi1>
        tpu.vector_store_idx %arg7[%gather3A_267, %and3A_4], %gather3A_272 masked %ge3A_10 {add = true} : memref<10000x8xf32, #tpu.memory_space<vmem>>[vector<16xi32>, vector<16xi32>], vector<16xf32>, vector<16xi1>
        %add3A_273 = arith.constant 10 : i32
        %add3A_274 = vector.broadcast %add3A_273 : i32 to vector<16xi32>
        %add3A_275 = arith.addi %add3A_208, %add3A_274 : vector<16xi32>
        %gather3A_276 = arith.constant 0 : i32
        %gather3A_277 = arith.constant 0 : i32
        %gather3A_278 = tpu.memref_slice %arg5[%scan3A_130, %gather3A_276, %gather3A_277] : memref<2x1280x8xi32, #tpu.memory_space<vmem>> -> memref<1x1280x8xi32, #tpu.memory_space<vmem>>
        %gather3A_279 = tpu.memref_squeeze %gather3A_278 : memref<1x1280x8xi32, #tpu.memory_space<vmem>> -> memref<1280x8xi32, #tpu.memory_space<vmem>>
        %gather3A_280 = tpu.vector_load_idx %gather3A_279[%add3A_275, %and3A_4] : memref<1280x8xi32, #tpu.memory_space<vmem>>[vector<16xi32>, vector<16xi32>], vector<16xi32>,
        %gather3A_281 = arith.constant 0 : i32
        %gather3A_282 = arith.constant 0 : i32
        %gather3A_283 = tpu.memref_slice %arg6[%scan3A_131, %gather3A_281, %gather3A_282] : memref<2x1280x8xf32, #tpu.memory_space<vmem>> -> memref<1x1280x8xf32, #tpu.memory_space<vmem>>
        %gather3A_284 = tpu.memref_squeeze %gather3A_283 : memref<1x1280x8xf32, #tpu.memory_space<vmem>> -> memref<1280x8xf32, #tpu.memory_space<vmem>>
        %gather3A_285 = tpu.vector_load_idx %gather3A_284[%add3A_275, %and3A_4] : memref<1280x8xf32, #tpu.memory_space<vmem>>[vector<16xi32>, vector<16xi32>], vector<16xf32>,
        tpu.vector_store_idx %arg7[%gather3A_280, %and3A_4], %gather3A_285 masked %lt3A_8 {add = true} : memref<10000x8xf32, #tpu.memory_space<vmem>>[vector<16xi32>, vector<16xi32>], vector<16xf32>, vector<16xi1>
        tpu.vector_store_idx %arg7[%gather3A_280, %and3A_4], %gather3A_285 masked %ge3A_10 {add = true} : memref<10000x8xf32, #tpu.memory_space<vmem>>[vector<16xi32>, vector<16xi32>], vector<16xf32>, vector<16xi1>
        %add3A_286 = arith.constant 12 : i32
        %add3A_287 = vector.broadcast %add3A_286 : i32 to vector<16xi32>
        %add3A_288 = arith.addi %add3A_208, %add3A_287 : vector<16xi32>
        %gather3A_289 = arith.constant 0 : i32
        %gather3A_290 = arith.constant 0 : i32
        %gather3A_291 = tpu.memref_slice %arg5[%scan3A_130, %gather3A_289, %gather3A_290] : memref<2x1280x8xi32, #tpu.memory_space<vmem>> -> memref<1x1280x8xi32, #tpu.memory_space<vmem>>
        %gather3A_292 = tpu.memref_squeeze %gather3A_291 : memref<1x1280x8xi32, #tpu.memory_space<vmem>> -> memref<1280x8xi32, #tpu.memory_space<vmem>>
        %gather3A_293 = tpu.vector_load_idx %gather3A_292[%add3A_288, %and3A_4] : memref<1280x8xi32, #tpu.memory_space<vmem>>[vector<16xi32>, vector<16xi32>], vector<16xi32>,
        %gather3A_294 = arith.constant 0 : i32
        %gather3A_295 = arith.constant 0 : i32
        %gather3A_296 = tpu.memref_slice %arg6[%scan3A_131, %gather3A_294, %gather3A_295] : memref<2x1280x8xf32, #tpu.memory_space<vmem>> -> memref<1x1280x8xf32, #tpu.memory_space<vmem>>
        %gather3A_297 = tpu.memref_squeeze %gather3A_296 : memref<1x1280x8xf32, #tpu.memory_space<vmem>> -> memref<1280x8xf32, #tpu.memory_space<vmem>>
        %gather3A_298 = tpu.vector_load_idx %gather3A_297[%add3A_288, %and3A_4] : memref<1280x8xf32, #tpu.memory_space<vmem>>[vector<16xi32>, vector<16xi32>], vector<16xf32>,
        tpu.vector_store_idx %arg7[%gather3A_293, %and3A_4], %gather3A_298 masked %lt3A_8 {add = true} : memref<10000x8xf32, #tpu.memory_space<vmem>>[vector<16xi32>, vector<16xi32>], vector<16xf32>, vector<16xi1>
        tpu.vector_store_idx %arg7[%gather3A_293, %and3A_4], %gather3A_298 masked %ge3A_10 {add = true} : memref<10000x8xf32, #tpu.memory_space<vmem>>[vector<16xi32>, vector<16xi32>], vector<16xf32>, vector<16xi1>
        %add3A_299 = arith.constant 14 : i32
        %add3A_300 = vector.broadcast %add3A_299 : i32 to vector<16xi32>
        %add3A_301 = arith.addi %add3A_208, %add3A_300 : vector<16xi32>
        %gather3A_302 = arith.constant 0 : i32
        %gather3A_303 = arith.constant 0 : i32
        %gather3A_304 = tpu.memref_slice %arg5[%scan3A_130, %gather3A_302, %gather3A_303] : memref<2x1280x8xi32, #tpu.memory_space<vmem>> -> memref<1x1280x8xi32, #tpu.memory_space<vmem>>
        %gather3A_305 = tpu.memref_squeeze %gather3A_304 : memref<1x1280x8xi32, #tpu.memory_space<vmem>> -> memref<1280x8xi32, #tpu.memory_space<vmem>>
        %gather3A_306 = tpu.vector_load_idx %gather3A_305[%add3A_301, %and3A_4] : memref<1280x8xi32, #tpu.memory_space<vmem>>[vector<16xi32>, vector<16xi32>], vector<16xi32>,
        %gather3A_307 = arith.constant 0 : i32
        %gather3A_308 = arith.constant 0 : i32
        %gather3A_309 = tpu.memref_slice %arg6[%scan3A_131, %gather3A_307, %gather3A_308] : memref<2x1280x8xf32, #tpu.memory_space<vmem>> -> memref<1x1280x8xf32, #tpu.memory_space<vmem>>
        %gather3A_310 = tpu.memref_squeeze %gather3A_309 : memref<1x1280x8xf32, #tpu.memory_space<vmem>> -> memref<1280x8xf32, #tpu.memory_space<vmem>>
        %gather3A_311 = tpu.vector_load_idx %gather3A_310[%add3A_301, %and3A_4] : memref<1280x8xf32, #tpu.memory_space<vmem>>[vector<16xi32>, vector<16xi32>], vector<16xf32>,
        tpu.vector_store_idx %arg7[%gather3A_306, %and3A_4], %gather3A_311 masked %lt3A_8 {add = true} : memref<10000x8xf32, #tpu.memory_space<vmem>>[vector<16xi32>, vector<16xi32>], vector<16xf32>, vector<16xi1>
        tpu.vector_store_idx %arg7[%gather3A_306, %and3A_4], %gather3A_311 masked %ge3A_10 {add = true} : memref<10000x8xf32, #tpu.memory_space<vmem>>[vector<16xi32>, vector<16xi32>], vector<16xf32>, vector<16xi1>
        %scan3A_312 = arith.constant 0 : i32
        scf.yield %scan3A_312 : i32
      }
      %scan3A_138 = arith.constant 80 : i32
      %add3A_139 = arith.constant 1 : i32
      %add3A_140 = arith.addi %mul3A_77, %add3A_139 : i32
      %mul3A_141 = arith.constant 1280 : i32
      %mul3A_142 = arith.muli %add3A_140, %mul3A_141 : i32
      %add3A_143 = arith.addi %mul3A_2, %mul3A_142 : i32
      %dma_wait3A_144 = arith.constant 1 : i32
      %dma_wait3A_145 = arith.constant 0 : i32
      %dma_wait3A_146 = arith.constant 0 : i32
      %dma_wait3A_147 = tpu.memref_slice %arg5[%dma_wait3A_144, %dma_wait3A_145, %dma_wait3A_146] : memref<2x1280x8xi32, #tpu.memory_space<vmem>> -> memref<1x1280x8xi32, #tpu.memory_space<vmem>>
      %dma_wait3A_148 = tpu.memref_squeeze %dma_wait3A_147 : memref<1x1280x8xi32, #tpu.memory_space<vmem>> -> memref<1280x8xi32, #tpu.memory_space<vmem>>
      %dma_wait3A_149 = tpu.memref_slice %arg2[%add3A_143, %mul3A_0] : memref<320000x128xi32, #tpu.memory_space<hbm>> -> memref<1280x8xi32, #tpu.memory_space<hbm>>
      %dma_wait3A_150 = arith.constant 0 : i32
      %dma_wait3A_151 = arith.constant 0 : i32
      %dma_wait3A_152 = tpu.memref_slice %arg5[%dma_wait3A_144, %dma_wait3A_150, %dma_wait3A_151] : memref<2x1280x8xi32, #tpu.memory_space<vmem>> -> memref<1x1280x8xi32, #tpu.memory_space<vmem>>
      %dma_wait3A_153 = tpu.memref_squeeze %dma_wait3A_152 : memref<1x1280x8xi32, #tpu.memory_space<vmem>> -> memref<1280x8xi32, #tpu.memory_space<vmem>>
      %dma_wait3A_154 = tpu.memref_slice %arg2[%add3A_143, %mul3A_0] : memref<320000x128xi32, #tpu.memory_space<hbm>> -> memref<1280x8xi32, #tpu.memory_space<hbm>>
      tpu.wait_dma2 semaphore(%arg9 : memref<!tpu.dma_semaphore, #tpu.memory_space<semaphore_mem>>) src(%dma_wait3A_154 : memref<1280x8xi32, #tpu.memory_space<hbm>>) dst(%dma_wait3A_153 : memref<1280x8xi32, #tpu.memory_space<vmem>>)
      %dma_wait3A_155 = arith.constant 1 : i32
      %dma_wait3A_156 = arith.constant 0 : i32
      %dma_wait3A_157 = arith.constant 0 : i32
      %dma_wait3A_158 = tpu.memref_slice %arg6[%dma_wait3A_155, %dma_wait3A_156, %dma_wait3A_157] : memref<2x1280x8xf32, #tpu.memory_space<vmem>> -> memref<1x1280x8xf32, #tpu.memory_space<vmem>>
      %dma_wait3A_159 = tpu.memref_squeeze %dma_wait3A_158 : memref<1x1280x8xf32, #tpu.memory_space<vmem>> -> memref<1280x8xf32, #tpu.memory_space<vmem>>
      %dma_wait3A_160 = tpu.memref_slice %arg3[%add3A_143, %mul3A_0] : memref<320000x128xf32, #tpu.memory_space<hbm>> -> memref<1280x8xf32, #tpu.memory_space<hbm>>
      %dma_wait3A_161 = arith.constant 0 : i32
      %dma_wait3A_162 = arith.constant 0 : i32
      %dma_wait3A_163 = tpu.memref_slice %arg6[%dma_wait3A_155, %dma_wait3A_161, %dma_wait3A_162] : memref<2x1280x8xf32, #tpu.memory_space<vmem>> -> memref<1x1280x8xf32, #tpu.memory_space<vmem>>
      %dma_wait3A_164 = tpu.memref_squeeze %dma_wait3A_163 : memref<1x1280x8xf32, #tpu.memory_space<vmem>> -> memref<1280x8xf32, #tpu.memory_space<vmem>>
      %dma_wait3A_165 = tpu.memref_slice %arg3[%add3A_143, %mul3A_0] : memref<320000x128xf32, #tpu.memory_space<hbm>> -> memref<1280x8xf32, #tpu.memory_space<hbm>>
      tpu.wait_dma2 semaphore(%arg9 : memref<!tpu.dma_semaphore, #tpu.memory_space<semaphore_mem>>) src(%dma_wait3A_165 : memref<1280x8xf32, #tpu.memory_space<hbm>>) dst(%dma_wait3A_164 : memref<1280x8xf32, #tpu.memory_space<vmem>>)
      %add3A_166 = arith.constant 2 : i32
      %add3A_167 = arith.addi %mul3A_77, %add3A_166 : i32
      %mul3A_168 = arith.constant 1280 : i32
      %mul3A_169 = arith.muli %add3A_167, %mul3A_168 : i32
      %add3A_170 = arith.addi %mul3A_2, %mul3A_169 : i32
      %dma_start3A_171 = arith.constant 0 : i32
      %dma_start3A_172 = arith.constant 0 : i32
      %dma_start3A_173 = arith.constant 0 : i32
      %dma_start3A_174 = tpu.memref_slice %arg5[%dma_start3A_171, %dma_start3A_172, %dma_start3A_173] : memref<2x1280x8xi32, #tpu.memory_space<vmem>> -> memref<1x1280x8xi32, #tpu.memory_space<vmem>>
      %dma_start3A_175 = tpu.memref_squeeze %dma_start3A_174 : memref<1x1280x8xi32, #tpu.memory_space<vmem>> -> memref<1280x8xi32, #tpu.memory_space<vmem>>
      %dma_start3A_176 = tpu.memref_slice %arg2[%add3A_170, %mul3A_0] : memref<320000x128xi32, #tpu.memory_space<hbm>> -> memref<1280x8xi32, #tpu.memory_space<hbm>>
      %dma_start3A_177 = arith.constant 0 : i32
      %dma_start3A_178 = arith.constant 0 : i32
      %dma_start3A_179 = tpu.memref_slice %arg5[%dma_start3A_171, %dma_start3A_177, %dma_start3A_178] : memref<2x1280x8xi32, #tpu.memory_space<vmem>> -> memref<1x1280x8xi32, #tpu.memory_space<vmem>>
      %dma_start3A_180 = tpu.memref_squeeze %dma_start3A_179 : memref<1x1280x8xi32, #tpu.memory_space<vmem>> -> memref<1280x8xi32, #tpu.memory_space<vmem>>
      %dma_start3A_181 = tpu.memref_slice %arg2[%add3A_170, %mul3A_0] : memref<320000x128xi32, #tpu.memory_space<hbm>> -> memref<1280x8xi32, #tpu.memory_space<hbm>>
      tpu.enqueue_dma source(%dma_start3A_181 : memref<1280x8xi32, #tpu.memory_space<hbm>>) target(%dma_start3A_180 : memref<1280x8xi32, #tpu.memory_space<vmem>>) target_semaphore(%arg8 : memref<!tpu.dma_semaphore, #tpu.memory_space<semaphore_mem>>)
      %dma_start3A_182 = arith.constant 0 : i32
      %dma_start3A_183 = arith.constant 0 : i32
      %dma_start3A_184 = arith.constant 0 : i32
      %dma_start3A_185 = tpu.memref_slice %arg6[%dma_start3A_182, %dma_start3A_183, %dma_start3A_184] : memref<2x1280x8xf32, #tpu.memory_space<vmem>> -> memref<1x1280x8xf32, #tpu.memory_space<vmem>>
      %dma_start3A_186 = tpu.memref_squeeze %dma_start3A_185 : memref<1x1280x8xf32, #tpu.memory_space<vmem>> -> memref<1280x8xf32, #tpu.memory_space<vmem>>
      %dma_start3A_187 = tpu.memref_slice %arg3[%add3A_170, %mul3A_0] : memref<320000x128xf32, #tpu.memory_space<hbm>> -> memref<1280x8xf32, #tpu.memory_space<hbm>>
      %dma_start3A_188 = arith.constant 0 : i32
      %dma_start3A_189 = arith.constant 0 : i32
      %dma_start3A_190 = tpu.memref_slice %arg6[%dma_start3A_182, %dma_start3A_188, %dma_start3A_189] : memref<2x1280x8xf32, #tpu.memory_space<vmem>> -> memref<1x1280x8xf32, #tpu.memory_space<vmem>>
      %dma_start3A_191 = tpu.memref_squeeze %dma_start3A_190 : memref<1x1280x8xf32, #tpu.memory_space<vmem>> -> memref<1280x8xf32, #tpu.memory_space<vmem>>
      %dma_start3A_192 = tpu.memref_slice %arg3[%add3A_170, %mul3A_0] : memref<320000x128xf32, #tpu.memory_space<hbm>> -> memref<1280x8xf32, #tpu.memory_space<hbm>>
      tpu.enqueue_dma source(%dma_start3A_192 : memref<1280x8xf32, #tpu.memory_space<hbm>>) target(%dma_start3A_191 : memref<1280x8xf32, #tpu.memory_space<vmem>>) target_semaphore(%arg8 : memref<!tpu.dma_semaphore, #tpu.memory_space<semaphore_mem>>)
      %scan3A_193 = arith.constant 1 : i32
      %scan3A_194 = arith.constant 1 : i32
      %scan3A_195 = arith.constant 0 : i32
      %scan3A_196 = arith.constant 0 : i32
      %scan3A_197 = arith.constant 80 : i32
      %scan3A_198 = arith.addi %scan3A_196, %scan3A_197 : i32
      %scan3A_199 = arith.constant 1 : i32
      %scan3A_200 = scf.for %scan3A_203 = %scan3A_196 to %scan3A_198 step %scan3A_199 iter_args(%scan3A_204 = %scan3A_195) -> (i32)  : i32 {
        %mul3A_205 = arith.constant 16 : i32
        %mul3A_206 = arith.muli %mul3A_205, %scan3A_203 : i32
        %add3A_207 = vector.broadcast %mul3A_206 : i32 to vector<16xi32>
        %add3A_208 = arith.addi %shift_right_arithmetic3A_6, %add3A_207 : vector<16xi32>
        %add3A_209 = arith.constant 0 : i32
        %add3A_210 = vector.broadcast %add3A_209 : i32 to vector<16xi32>
        %add3A_211 = arith.addi %add3A_208, %add3A_210 : vector<16xi32>
        %gather3A = arith.constant 0 : i32
        %gather3A_212 = arith.constant 0 : i32
        %gather3A_213 = tpu.memref_slice %arg5[%scan3A_193, %gather3A, %gather3A_212] : memref<2x1280x8xi32, #tpu.memory_space<vmem>> -> memref<1x1280x8xi32, #tpu.memory_space<vmem>>
        %gather3A_214 = tpu.memref_squeeze %gather3A_213 : memref<1x1280x8xi32, #tpu.memory_space<vmem>> -> memref<1280x8xi32, #tpu.memory_space<vmem>>
        %gather3A_215 = tpu.vector_load_idx %gather3A_214[%add3A_211, %and3A_4] : memref<1280x8xi32, #tpu.memory_space<vmem>>[vector<16xi32>, vector<16xi32>], vector<16xi32>,
        %gather3A_216 = arith.constant 0 : i32
        %gather3A_217 = arith.constant 0 : i32
        %gather3A_218 = tpu.memref_slice %arg6[%scan3A_194, %gather3A_216, %gather3A_217] : memref<2x1280x8xf32, #tpu.memory_space<vmem>> -> memref<1x1280x8xf32, #tpu.memory_space<vmem>>
        %gather3A_219 = tpu.memref_squeeze %gather3A_218 : memref<1x1280x8xf32, #tpu.memory_space<vmem>> -> memref<1280x8xf32, #tpu.memory_space<vmem>>
        %gather3A_220 = tpu.vector_load_idx %gather3A_219[%add3A_211, %and3A_4] : memref<1280x8xf32, #tpu.memory_space<vmem>>[vector<16xi32>, vector<16xi32>], vector<16xf32>,
        tpu.vector_store_idx %arg7[%gather3A_215, %and3A_4], %gather3A_220 masked %lt3A_8 {add = true} : memref<10000x8xf32, #tpu.memory_space<vmem>>[vector<16xi32>, vector<16xi32>], vector<16xf32>, vector<16xi1>
        tpu.vector_store_idx %arg7[%gather3A_215, %and3A_4], %gather3A_220 masked %ge3A_10 {add = true} : memref<10000x8xf32, #tpu.memory_space<vmem>>[vector<16xi32>, vector<16xi32>], vector<16xf32>, vector<16xi1>
        %add3A_221 = arith.constant 2 : i32
        %add3A_222 = vector.broadcast %add3A_221 : i32 to vector<16xi32>
        %add3A_223 = arith.addi %add3A_208, %add3A_222 : vector<16xi32>
        %gather3A_224 = arith.constant 0 : i32
        %gather3A_225 = arith.constant 0 : i32
        %gather3A_226 = tpu.memref_slice %arg5[%scan3A_193, %gather3A_224, %gather3A_225] : memref<2x1280x8xi32, #tpu.memory_space<vmem>> -> memref<1x1280x8xi32, #tpu.memory_space<vmem>>
        %gather3A_227 = tpu.memref_squeeze %gather3A_226 : memref<1x1280x8xi32, #tpu.memory_space<vmem>> -> memref<1280x8xi32, #tpu.memory_space<vmem>>
        %gather3A_228 = tpu.vector_load_idx %gather3A_227[%add3A_223, %and3A_4] : memref<1280x8xi32, #tpu.memory_space<vmem>>[vector<16xi32>, vector<16xi32>], vector<16xi32>,
        %gather3A_229 = arith.constant 0 : i32
        %gather3A_230 = arith.constant 0 : i32
        %gather3A_231 = tpu.memref_slice %arg6[%scan3A_194, %gather3A_229, %gather3A_230] : memref<2x1280x8xf32, #tpu.memory_space<vmem>> -> memref<1x1280x8xf32, #tpu.memory_space<vmem>>
        %gather3A_232 = tpu.memref_squeeze %gather3A_231 : memref<1x1280x8xf32, #tpu.memory_space<vmem>> -> memref<1280x8xf32, #tpu.memory_space<vmem>>
        %gather3A_233 = tpu.vector_load_idx %gather3A_232[%add3A_223, %and3A_4] : memref<1280x8xf32, #tpu.memory_space<vmem>>[vector<16xi32>, vector<16xi32>], vector<16xf32>,
        tpu.vector_store_idx %arg7[%gather3A_228, %and3A_4], %gather3A_233 masked %lt3A_8 {add = true} : memref<10000x8xf32, #tpu.memory_space<vmem>>[vector<16xi32>, vector<16xi32>], vector<16xf32>, vector<16xi1>
        tpu.vector_store_idx %arg7[%gather3A_228, %and3A_4], %gather3A_233 masked %ge3A_10 {add = true} : memref<10000x8xf32, #tpu.memory_space<vmem>>[vector<16xi32>, vector<16xi32>], vector<16xf32>, vector<16xi1>
        %add3A_234 = arith.constant 4 : i32
        %add3A_235 = vector.broadcast %add3A_234 : i32 to vector<16xi32>
        %add3A_236 = arith.addi %add3A_208, %add3A_235 : vector<16xi32>
        %gather3A_237 = arith.constant 0 : i32
        %gather3A_238 = arith.constant 0 : i32
        %gather3A_239 = tpu.memref_slice %arg5[%scan3A_193, %gather3A_237, %gather3A_238] : memref<2x1280x8xi32, #tpu.memory_space<vmem>> -> memref<1x1280x8xi32, #tpu.memory_space<vmem>>
        %gather3A_240 = tpu.memref_squeeze %gather3A_239 : memref<1x1280x8xi32, #tpu.memory_space<vmem>> -> memref<1280x8xi32, #tpu.memory_space<vmem>>
        %gather3A_241 = tpu.vector_load_idx %gather3A_240[%add3A_236, %and3A_4] : memref<1280x8xi32, #tpu.memory_space<vmem>>[vector<16xi32>, vector<16xi32>], vector<16xi32>,
        %gather3A_242 = arith.constant 0 : i32
        %gather3A_243 = arith.constant 0 : i32
        %gather3A_244 = tpu.memref_slice %arg6[%scan3A_194, %gather3A_242, %gather3A_243] : memref<2x1280x8xf32, #tpu.memory_space<vmem>> -> memref<1x1280x8xf32, #tpu.memory_space<vmem>>
        %gather3A_245 = tpu.memref_squeeze %gather3A_244 : memref<1x1280x8xf32, #tpu.memory_space<vmem>> -> memref<1280x8xf32, #tpu.memory_space<vmem>>
        %gather3A_246 = tpu.vector_load_idx %gather3A_245[%add3A_236, %and3A_4] : memref<1280x8xf32, #tpu.memory_space<vmem>>[vector<16xi32>, vector<16xi32>], vector<16xf32>,
        tpu.vector_store_idx %arg7[%gather3A_241, %and3A_4], %gather3A_246 masked %lt3A_8 {add = true} : memref<10000x8xf32, #tpu.memory_space<vmem>>[vector<16xi32>, vector<16xi32>], vector<16xf32>, vector<16xi1>
        tpu.vector_store_idx %arg7[%gather3A_241, %and3A_4], %gather3A_246 masked %ge3A_10 {add = true} : memref<10000x8xf32, #tpu.memory_space<vmem>>[vector<16xi32>, vector<16xi32>], vector<16xf32>, vector<16xi1>
        %add3A_247 = arith.constant 6 : i32
        %add3A_248 = vector.broadcast %add3A_247 : i32 to vector<16xi32>
        %add3A_249 = arith.addi %add3A_208, %add3A_248 : vector<16xi32>
        %gather3A_250 = arith.constant 0 : i32
        %gather3A_251 = arith.constant 0 : i32
        %gather3A_252 = tpu.memref_slice %arg5[%scan3A_193, %gather3A_250, %gather3A_251] : memref<2x1280x8xi32, #tpu.memory_space<vmem>> -> memref<1x1280x8xi32, #tpu.memory_space<vmem>>
        %gather3A_253 = tpu.memref_squeeze %gather3A_252 : memref<1x1280x8xi32, #tpu.memory_space<vmem>> -> memref<1280x8xi32, #tpu.memory_space<vmem>>
        %gather3A_254 = tpu.vector_load_idx %gather3A_253[%add3A_249, %and3A_4] : memref<1280x8xi32, #tpu.memory_space<vmem>>[vector<16xi32>, vector<16xi32>], vector<16xi32>,
        %gather3A_255 = arith.constant 0 : i32
        %gather3A_256 = arith.constant 0 : i32
        %gather3A_257 = tpu.memref_slice %arg6[%scan3A_194, %gather3A_255, %gather3A_256] : memref<2x1280x8xf32, #tpu.memory_space<vmem>> -> memref<1x1280x8xf32, #tpu.memory_space<vmem>>
        %gather3A_258 = tpu.memref_squeeze %gather3A_257 : memref<1x1280x8xf32, #tpu.memory_space<vmem>> -> memref<1280x8xf32, #tpu.memory_space<vmem>>
        %gather3A_259 = tpu.vector_load_idx %gather3A_258[%add3A_249, %and3A_4] : memref<1280x8xf32, #tpu.memory_space<vmem>>[vector<16xi32>, vector<16xi32>], vector<16xf32>,
        tpu.vector_store_idx %arg7[%gather3A_254, %and3A_4], %gather3A_259 masked %lt3A_8 {add = true} : memref<10000x8xf32, #tpu.memory_space<vmem>>[vector<16xi32>, vector<16xi32>], vector<16xf32>, vector<16xi1>
        tpu.vector_store_idx %arg7[%gather3A_254, %and3A_4], %gather3A_259 masked %ge3A_10 {add = true} : memref<10000x8xf32, #tpu.memory_space<vmem>>[vector<16xi32>, vector<16xi32>], vector<16xf32>, vector<16xi1>
        %add3A_260 = arith.constant 8 : i32
        %add3A_261 = vector.broadcast %add3A_260 : i32 to vector<16xi32>
        %add3A_262 = arith.addi %add3A_208, %add3A_261 : vector<16xi32>
        %gather3A_263 = arith.constant 0 : i32
        %gather3A_264 = arith.constant 0 : i32
        %gather3A_265 = tpu.memref_slice %arg5[%scan3A_193, %gather3A_263, %gather3A_264] : memref<2x1280x8xi32, #tpu.memory_space<vmem>> -> memref<1x1280x8xi32, #tpu.memory_space<vmem>>
        %gather3A_266 = tpu.memref_squeeze %gather3A_265 : memref<1x1280x8xi32, #tpu.memory_space<vmem>> -> memref<1280x8xi32, #tpu.memory_space<vmem>>
        %gather3A_267 = tpu.vector_load_idx %gather3A_266[%add3A_262, %and3A_4] : memref<1280x8xi32, #tpu.memory_space<vmem>>[vector<16xi32>, vector<16xi32>], vector<16xi32>,
        %gather3A_268 = arith.constant 0 : i32
        %gather3A_269 = arith.constant 0 : i32
        %gather3A_270 = tpu.memref_slice %arg6[%scan3A_194, %gather3A_268, %gather3A_269] : memref<2x1280x8xf32, #tpu.memory_space<vmem>> -> memref<1x1280x8xf32, #tpu.memory_space<vmem>>
        %gather3A_271 = tpu.memref_squeeze %gather3A_270 : memref<1x1280x8xf32, #tpu.memory_space<vmem>> -> memref<1280x8xf32, #tpu.memory_space<vmem>>
        %gather3A_272 = tpu.vector_load_idx %gather3A_271[%add3A_262, %and3A_4] : memref<1280x8xf32, #tpu.memory_space<vmem>>[vector<16xi32>, vector<16xi32>], vector<16xf32>,
        tpu.vector_store_idx %arg7[%gather3A_267, %and3A_4], %gather3A_272 masked %lt3A_8 {add = true} : memref<10000x8xf32, #tpu.memory_space<vmem>>[vector<16xi32>, vector<16xi32>], vector<16xf32>, vector<16xi1>
        tpu.vector_store_idx %arg7[%gather3A_267, %and3A_4], %gather3A_272 masked %ge3A_10 {add = true} : memref<10000x8xf32, #tpu.memory_space<vmem>>[vector<16xi32>, vector<16xi32>], vector<16xf32>, vector<16xi1>
        %add3A_273 = arith.constant 10 : i32
        %add3A_274 = vector.broadcast %add3A_273 : i32 to vector<16xi32>
        %add3A_275 = arith.addi %add3A_208, %add3A_274 : vector<16xi32>
        %gather3A_276 = arith.constant 0 : i32
        %gather3A_277 = arith.constant 0 : i32
        %gather3A_278 = tpu.memref_slice %arg5[%scan3A_193, %gather3A_276, %gather3A_277] : memref<2x1280x8xi32, #tpu.memory_space<vmem>> -> memref<1x1280x8xi32, #tpu.memory_space<vmem>>
        %gather3A_279 = tpu.memref_squeeze %gather3A_278 : memref<1x1280x8xi32, #tpu.memory_space<vmem>> -> memref<1280x8xi32, #tpu.memory_space<vmem>>
        %gather3A_280 = tpu.vector_load_idx %gather3A_279[%add3A_275, %and3A_4] : memref<1280x8xi32, #tpu.memory_space<vmem>>[vector<16xi32>, vector<16xi32>], vector<16xi32>,
        %gather3A_281 = arith.constant 0 : i32
        %gather3A_282 = arith.constant 0 : i32
        %gather3A_283 = tpu.memref_slice %arg6[%scan3A_194, %gather3A_281, %gather3A_282] : memref<2x1280x8xf32, #tpu.memory_space<vmem>> -> memref<1x1280x8xf32, #tpu.memory_space<vmem>>
        %gather3A_284 = tpu.memref_squeeze %gather3A_283 : memref<1x1280x8xf32, #tpu.memory_space<vmem>> -> memref<1280x8xf32, #tpu.memory_space<vmem>>
        %gather3A_285 = tpu.vector_load_idx %gather3A_284[%add3A_275, %and3A_4] : memref<1280x8xf32, #tpu.memory_space<vmem>>[vector<16xi32>, vector<16xi32>], vector<16xf32>,
        tpu.vector_store_idx %arg7[%gather3A_280, %and3A_4], %gather3A_285 masked %lt3A_8 {add = true} : memref<10000x8xf32, #tpu.memory_space<vmem>>[vector<16xi32>, vector<16xi32>], vector<16xf32>, vector<16xi1>
        tpu.vector_store_idx %arg7[%gather3A_280, %and3A_4], %gather3A_285 masked %ge3A_10 {add = true} : memref<10000x8xf32, #tpu.memory_space<vmem>>[vector<16xi32>, vector<16xi32>], vector<16xf32>, vector<16xi1>
        %add3A_286 = arith.constant 12 : i32
        %add3A_287 = vector.broadcast %add3A_286 : i32 to vector<16xi32>
        %add3A_288 = arith.addi %add3A_208, %add3A_287 : vector<16xi32>
        %gather3A_289 = arith.constant 0 : i32
        %gather3A_290 = arith.constant 0 : i32
        %gather3A_291 = tpu.memref_slice %arg5[%scan3A_193, %gather3A_289, %gather3A_290] : memref<2x1280x8xi32, #tpu.memory_space<vmem>> -> memref<1x1280x8xi32, #tpu.memory_space<vmem>>
        %gather3A_292 = tpu.memref_squeeze %gather3A_291 : memref<1x1280x8xi32, #tpu.memory_space<vmem>> -> memref<1280x8xi32, #tpu.memory_space<vmem>>
        %gather3A_293 = tpu.vector_load_idx %gather3A_292[%add3A_288, %and3A_4] : memref<1280x8xi32, #tpu.memory_space<vmem>>[vector<16xi32>, vector<16xi32>], vector<16xi32>,
        %gather3A_294 = arith.constant 0 : i32
        %gather3A_295 = arith.constant 0 : i32
        %gather3A_296 = tpu.memref_slice %arg6[%scan3A_194, %gather3A_294, %gather3A_295] : memref<2x1280x8xf32, #tpu.memory_space<vmem>> -> memref<1x1280x8xf32, #tpu.memory_space<vmem>>
        %gather3A_297 = tpu.memref_squeeze %gather3A_296 : memref<1x1280x8xf32, #tpu.memory_space<vmem>> -> memref<1280x8xf32, #tpu.memory_space<vmem>>
        %gather3A_298 = tpu.vector_load_idx %gather3A_297[%add3A_288, %and3A_4] : memref<1280x8xf32, #tpu.memory_space<vmem>>[vector<16xi32>, vector<16xi32>], vector<16xf32>,
        tpu.vector_store_idx %arg7[%gather3A_293, %and3A_4], %gather3A_298 masked %lt3A_8 {add = true} : memref<10000x8xf32, #tpu.memory_space<vmem>>[vector<16xi32>, vector<16xi32>], vector<16xf32>, vector<16xi1>
        tpu.vector_store_idx %arg7[%gather3A_293, %and3A_4], %gather3A_298 masked %ge3A_10 {add = true} : memref<10000x8xf32, #tpu.memory_space<vmem>>[vector<16xi32>, vector<16xi32>], vector<16xf32>, vector<16xi1>
        %add3A_299 = arith.constant 14 : i32
        %add3A_300 = vector.broadcast %add3A_299 : i32 to vector<16xi32>
        %add3A_301 = arith.addi %add3A_208, %add3A_300 : vector<16xi32>
        %gather3A_302 = arith.constant 0 : i32
        %gather3A_303 = arith.constant 0 : i32
        %gather3A_304 = tpu.memref_slice %arg5[%scan3A_193, %gather3A_302, %gather3A_303] : memref<2x1280x8xi32, #tpu.memory_space<vmem>> -> memref<1x1280x8xi32, #tpu.memory_space<vmem>>
        %gather3A_305 = tpu.memref_squeeze %gather3A_304 : memref<1x1280x8xi32, #tpu.memory_space<vmem>> -> memref<1280x8xi32, #tpu.memory_space<vmem>>
        %gather3A_306 = tpu.vector_load_idx %gather3A_305[%add3A_301, %and3A_4] : memref<1280x8xi32, #tpu.memory_space<vmem>>[vector<16xi32>, vector<16xi32>], vector<16xi32>,
        %gather3A_307 = arith.constant 0 : i32
        %gather3A_308 = arith.constant 0 : i32
        %gather3A_309 = tpu.memref_slice %arg6[%scan3A_194, %gather3A_307, %gather3A_308] : memref<2x1280x8xf32, #tpu.memory_space<vmem>> -> memref<1x1280x8xf32, #tpu.memory_space<vmem>>
        %gather3A_310 = tpu.memref_squeeze %gather3A_309 : memref<1x1280x8xf32, #tpu.memory_space<vmem>> -> memref<1280x8xf32, #tpu.memory_space<vmem>>
        %gather3A_311 = tpu.vector_load_idx %gather3A_310[%add3A_301, %and3A_4] : memref<1280x8xf32, #tpu.memory_space<vmem>>[vector<16xi32>, vector<16xi32>], vector<16xf32>,
        tpu.vector_store_idx %arg7[%gather3A_306, %and3A_4], %gather3A_311 masked %lt3A_8 {add = true} : memref<10000x8xf32, #tpu.memory_space<vmem>>[vector<16xi32>, vector<16xi32>], vector<16xf32>, vector<16xi1>
        tpu.vector_store_idx %arg7[%gather3A_306, %and3A_4], %gather3A_311 masked %ge3A_10 {add = true} : memref<10000x8xf32, #tpu.memory_space<vmem>>[vector<16xi32>, vector<16xi32>], vector<16xf32>, vector<16xi1>
        %scan3A_312 = arith.constant 0 : i32
        scf.yield %scan3A_312 : i32
      }
      %scan3A_201 = arith.constant 80 : i32
      %scan3A_202 = arith.constant 0 : i32
      scf.yield %scan3A_202 : i32
    }
    %scan3A_41 = arith.constant 62 : i32
    %add3A_42 = arith.constant 158720 : i32
    %add3A_43 = arith.addi %mul3A_2, %add3A_42 : i32
    %dma_wait3A = arith.constant 0 : i32
    %dma_wait3A_44 = arith.constant 0 : i32
    %dma_wait3A_45 = arith.constant 0 : i32
    %dma_wait3A_46 = tpu.memref_slice %arg5[%dma_wait3A, %dma_wait3A_44, %dma_wait3A_45] : memref<2x1280x8xi32, #tpu.memory_space<vmem>> -> memref<1x1280x8xi32, #tpu.memory_space<vmem>>
    %dma_wait3A_47 = tpu.memref_squeeze %dma_wait3A_46 : memref<1x1280x8xi32, #tpu.memory_space<vmem>> -> memref<1280x8xi32, #tpu.memory_space<vmem>>
    %dma_wait3A_48 = tpu.memref_slice %arg2[%add3A_43, %mul3A_0] : memref<320000x128xi32, #tpu.memory_space<hbm>> -> memref<1280x8xi32, #tpu.memory_space<hbm>>
    %dma_wait3A_49 = arith.constant 0 : i32
    %dma_wait3A_50 = arith.constant 0 : i32
    %dma_wait3A_51 = tpu.memref_slice %arg5[%dma_wait3A, %dma_wait3A_49, %dma_wait3A_50] : memref<2x1280x8xi32, #tpu.memory_space<vmem>> -> memref<1x1280x8xi32, #tpu.memory_space<vmem>>
    %dma_wait3A_52 = tpu.memref_squeeze %dma_wait3A_51 : memref<1x1280x8xi32, #tpu.memory_space<vmem>> -> memref<1280x8xi32, #tpu.memory_space<vmem>>
    %dma_wait3A_53 = tpu.memref_slice %arg2[%add3A_43, %mul3A_0] : memref<320000x128xi32, #tpu.memory_space<hbm>> -> memref<1280x8xi32, #tpu.memory_space<hbm>>
    tpu.wait_dma2 semaphore(%arg8 : memref<!tpu.dma_semaphore, #tpu.memory_space<semaphore_mem>>) src(%dma_wait3A_53 : memref<1280x8xi32, #tpu.memory_space<hbm>>) dst(%dma_wait3A_52 : memref<1280x8xi32, #tpu.memory_space<vmem>>)
    %dma_wait3A_54 = arith.constant 0 : i32
    %dma_wait3A_55 = arith.constant 0 : i32
    %dma_wait3A_56 = arith.constant 0 : i32
    %dma_wait3A_57 = tpu.memref_slice %arg6[%dma_wait3A_54, %dma_wait3A_55, %dma_wait3A_56] : memref<2x1280x8xf32, #tpu.memory_space<vmem>> -> memref<1x1280x8xf32, #tpu.memory_space<vmem>>
    %dma_wait3A_58 = tpu.memref_squeeze %dma_wait3A_57 : memref<1x1280x8xf32, #tpu.memory_space<vmem>> -> memref<1280x8xf32, #tpu.memory_space<vmem>>
    %dma_wait3A_59 = tpu.memref_slice %arg3[%add3A_43, %mul3A_0] : memref<320000x128xf32, #tpu.memory_space<hbm>> -> memref<1280x8xf32, #tpu.memory_space<hbm>>
    %dma_wait3A_60 = arith.constant 0 : i32
    %dma_wait3A_61 = arith.constant 0 : i32
    %dma_wait3A_62 = tpu.memref_slice %arg6[%dma_wait3A_54, %dma_wait3A_60, %dma_wait3A_61] : memref<2x1280x8xf32, #tpu.memory_space<vmem>> -> memref<1x1280x8xf32, #tpu.memory_space<vmem>>
    %dma_wait3A_63 = tpu.memref_squeeze %dma_wait3A_62 : memref<1x1280x8xf32, #tpu.memory_space<vmem>> -> memref<1280x8xf32, #tpu.memory_space<vmem>>
    %dma_wait3A_64 = tpu.memref_slice %arg3[%add3A_43, %mul3A_0] : memref<320000x128xf32, #tpu.memory_space<hbm>> -> memref<1280x8xf32, #tpu.memory_space<hbm>>
    tpu.wait_dma2 semaphore(%arg8 : memref<!tpu.dma_semaphore, #tpu.memory_space<semaphore_mem>>) src(%dma_wait3A_64 : memref<1280x8xf32, #tpu.memory_space<hbm>>) dst(%dma_wait3A_63 : memref<1280x8xf32, #tpu.memory_space<vmem>>)
    %scan3A_65 = arith.constant 0 : i32
    %scan3A_66 = arith.constant 0 : i32
    %scan3A_67 = arith.constant 0 : i32
    %scan3A_68 = arith.constant 0 : i32
    %scan3A_69 = arith.constant 80 : i32
    %scan3A_70 = arith.addi %scan3A_68, %scan3A_69 : i32
    %scan3A_71 = arith.constant 1 : i32
    %scan3A_72 = scf.for %scan3A_74 = %scan3A_68 to %scan3A_70 step %scan3A_71 iter_args(%scan3A_75 = %scan3A_67) -> (i32)  : i32 {
      %mul3A_76 = arith.constant 16 : i32
      %mul3A_77 = arith.muli %mul3A_76, %scan3A_74 : i32
      %add3A_78 = vector.broadcast %mul3A_77 : i32 to vector<16xi32>
      %add3A_79 = arith.addi %shift_right_arithmetic3A_6, %add3A_78 : vector<16xi32>
      %add3A_80 = arith.constant 0 : i32
      %add3A_81 = vector.broadcast %add3A_80 : i32 to vector<16xi32>
      %add3A_82 = arith.addi %add3A_79, %add3A_81 : vector<16xi32>
      %gather3A = arith.constant 0 : i32
      %gather3A_83 = arith.constant 0 : i32
      %gather3A_84 = tpu.memref_slice %arg5[%scan3A_65, %gather3A, %gather3A_83] : memref<2x1280x8xi32, #tpu.memory_space<vmem>> -> memref<1x1280x8xi32, #tpu.memory_space<vmem>>
      %gather3A_85 = tpu.memref_squeeze %gather3A_84 : memref<1x1280x8xi32, #tpu.memory_space<vmem>> -> memref<1280x8xi32, #tpu.memory_space<vmem>>
      %gather3A_86 = tpu.vector_load_idx %gather3A_85[%add3A_82, %and3A_4] : memref<1280x8xi32, #tpu.memory_space<vmem>>[vector<16xi32>, vector<16xi32>], vector<16xi32>,
      %gather3A_87 = arith.constant 0 : i32
      %gather3A_88 = arith.constant 0 : i32
      %gather3A_89 = tpu.memref_slice %arg6[%scan3A_66, %gather3A_87, %gather3A_88] : memref<2x1280x8xf32, #tpu.memory_space<vmem>> -> memref<1x1280x8xf32, #tpu.memory_space<vmem>>
      %gather3A_90 = tpu.memref_squeeze %gather3A_89 : memref<1x1280x8xf32, #tpu.memory_space<vmem>> -> memref<1280x8xf32, #tpu.memory_space<vmem>>
      %gather3A_91 = tpu.vector_load_idx %gather3A_90[%add3A_82, %and3A_4] : memref<1280x8xf32, #tpu.memory_space<vmem>>[vector<16xi32>, vector<16xi32>], vector<16xf32>,
      tpu.vector_store_idx %arg7[%gather3A_86, %and3A_4], %gather3A_91 masked %lt3A_8 {add = true} : memref<10000x8xf32, #tpu.memory_space<vmem>>[vector<16xi32>, vector<16xi32>], vector<16xf32>, vector<16xi1>
      tpu.vector_store_idx %arg7[%gather3A_86, %and3A_4], %gather3A_91 masked %ge3A_10 {add = true} : memref<10000x8xf32, #tpu.memory_space<vmem>>[vector<16xi32>, vector<16xi32>], vector<16xf32>, vector<16xi1>
      %add3A_92 = arith.constant 2 : i32
      %add3A_93 = vector.broadcast %add3A_92 : i32 to vector<16xi32>
      %add3A_94 = arith.addi %add3A_79, %add3A_93 : vector<16xi32>
      %gather3A_95 = arith.constant 0 : i32
      %gather3A_96 = arith.constant 0 : i32
      %gather3A_97 = tpu.memref_slice %arg5[%scan3A_65, %gather3A_95, %gather3A_96] : memref<2x1280x8xi32, #tpu.memory_space<vmem>> -> memref<1x1280x8xi32, #tpu.memory_space<vmem>>
      %gather3A_98 = tpu.memref_squeeze %gather3A_97 : memref<1x1280x8xi32, #tpu.memory_space<vmem>> -> memref<1280x8xi32, #tpu.memory_space<vmem>>
      %gather3A_99 = tpu.vector_load_idx %gather3A_98[%add3A_94, %and3A_4] : memref<1280x8xi32, #tpu.memory_space<vmem>>[vector<16xi32>, vector<16xi32>], vector<16xi32>,
      %gather3A_100 = arith.constant 0 : i32
      %gather3A_101 = arith.constant 0 : i32
      %gather3A_102 = tpu.memref_slice %arg6[%scan3A_66, %gather3A_100, %gather3A_101] : memref<2x1280x8xf32, #tpu.memory_space<vmem>> -> memref<1x1280x8xf32, #tpu.memory_space<vmem>>
      %gather3A_103 = tpu.memref_squeeze %gather3A_102 : memref<1x1280x8xf32, #tpu.memory_space<vmem>> -> memref<1280x8xf32, #tpu.memory_space<vmem>>
      %gather3A_104 = tpu.vector_load_idx %gather3A_103[%add3A_94, %and3A_4] : memref<1280x8xf32, #tpu.memory_space<vmem>>[vector<16xi32>, vector<16xi32>], vector<16xf32>,
      tpu.vector_store_idx %arg7[%gather3A_99, %and3A_4], %gather3A_104 masked %lt3A_8 {add = true} : memref<10000x8xf32, #tpu.memory_space<vmem>>[vector<16xi32>, vector<16xi32>], vector<16xf32>, vector<16xi1>
      tpu.vector_store_idx %arg7[%gather3A_99, %and3A_4], %gather3A_104 masked %ge3A_10 {add = true} : memref<10000x8xf32, #tpu.memory_space<vmem>>[vector<16xi32>, vector<16xi32>], vector<16xf32>, vector<16xi1>
      %add3A_105 = arith.constant 4 : i32
      %add3A_106 = vector.broadcast %add3A_105 : i32 to vector<16xi32>
      %add3A_107 = arith.addi %add3A_79, %add3A_106 : vector<16xi32>
      %gather3A_108 = arith.constant 0 : i32
      %gather3A_109 = arith.constant 0 : i32
      %gather3A_110 = tpu.memref_slice %arg5[%scan3A_65, %gather3A_108, %gather3A_109] : memref<2x1280x8xi32, #tpu.memory_space<vmem>> -> memref<1x1280x8xi32, #tpu.memory_space<vmem>>
      %gather3A_111 = tpu.memref_squeeze %gather3A_110 : memref<1x1280x8xi32, #tpu.memory_space<vmem>> -> memref<1280x8xi32, #tpu.memory_space<vmem>>
      %gather3A_112 = tpu.vector_load_idx %gather3A_111[%add3A_107, %and3A_4] : memref<1280x8xi32, #tpu.memory_space<vmem>>[vector<16xi32>, vector<16xi32>], vector<16xi32>,
      %gather3A_113 = arith.constant 0 : i32
      %gather3A_114 = arith.constant 0 : i32
      %gather3A_115 = tpu.memref_slice %arg6[%scan3A_66, %gather3A_113, %gather3A_114] : memref<2x1280x8xf32, #tpu.memory_space<vmem>> -> memref<1x1280x8xf32, #tpu.memory_space<vmem>>
      %gather3A_116 = tpu.memref_squeeze %gather3A_115 : memref<1x1280x8xf32, #tpu.memory_space<vmem>> -> memref<1280x8xf32, #tpu.memory_space<vmem>>
      %gather3A_117 = tpu.vector_load_idx %gather3A_116[%add3A_107, %and3A_4] : memref<1280x8xf32, #tpu.memory_space<vmem>>[vector<16xi32>, vector<16xi32>], vector<16xf32>,
      tpu.vector_store_idx %arg7[%gather3A_112, %and3A_4], %gather3A_117 masked %lt3A_8 {add = true} : memref<10000x8xf32, #tpu.memory_space<vmem>>[vector<16xi32>, vector<16xi32>], vector<16xf32>, vector<16xi1>
      tpu.vector_store_idx %arg7[%gather3A_112, %and3A_4], %gather3A_117 masked %ge3A_10 {add = true} : memref<10000x8xf32, #tpu.memory_space<vmem>>[vector<16xi32>, vector<16xi32>], vector<16xf32>, vector<16xi1>
      %add3A_118 = arith.constant 6 : i32
      %add3A_119 = vector.broadcast %add3A_118 : i32 to vector<16xi32>
      %add3A_120 = arith.addi %add3A_79, %add3A_119 : vector<16xi32>
      %gather3A_121 = arith.constant 0 : i32
      %gather3A_122 = arith.constant 0 : i32
      %gather3A_123 = tpu.memref_slice %arg5[%scan3A_65, %gather3A_121, %gather3A_122] : memref<2x1280x8xi32, #tpu.memory_space<vmem>> -> memref<1x1280x8xi32, #tpu.memory_space<vmem>>
      %gather3A_124 = tpu.memref_squeeze %gather3A_123 : memref<1x1280x8xi32, #tpu.memory_space<vmem>> -> memref<1280x8xi32, #tpu.memory_space<vmem>>
      %gather3A_125 = tpu.vector_load_idx %gather3A_124[%add3A_120, %and3A_4] : memref<1280x8xi32, #tpu.memory_space<vmem>>[vector<16xi32>, vector<16xi32>], vector<16xi32>,
      %gather3A_126 = arith.constant 0 : i32
      %gather3A_127 = arith.constant 0 : i32
      %gather3A_128 = tpu.memref_slice %arg6[%scan3A_66, %gather3A_126, %gather3A_127] : memref<2x1280x8xf32, #tpu.memory_space<vmem>> -> memref<1x1280x8xf32, #tpu.memory_space<vmem>>
      %gather3A_129 = tpu.memref_squeeze %gather3A_128 : memref<1x1280x8xf32, #tpu.memory_space<vmem>> -> memref<1280x8xf32, #tpu.memory_space<vmem>>
      %gather3A_130 = tpu.vector_load_idx %gather3A_129[%add3A_120, %and3A_4] : memref<1280x8xf32, #tpu.memory_space<vmem>>[vector<16xi32>, vector<16xi32>], vector<16xf32>,
      tpu.vector_store_idx %arg7[%gather3A_125, %and3A_4], %gather3A_130 masked %lt3A_8 {add = true} : memref<10000x8xf32, #tpu.memory_space<vmem>>[vector<16xi32>, vector<16xi32>], vector<16xf32>, vector<16xi1>
      tpu.vector_store_idx %arg7[%gather3A_125, %and3A_4], %gather3A_130 masked %ge3A_10 {add = true} : memref<10000x8xf32, #tpu.memory_space<vmem>>[vector<16xi32>, vector<16xi32>], vector<16xf32>, vector<16xi1>
      %add3A_131 = arith.constant 8 : i32
      %add3A_132 = vector.broadcast %add3A_131 : i32 to vector<16xi32>
      %add3A_133 = arith.addi %add3A_79, %add3A_132 : vector<16xi32>
      %gather3A_134 = arith.constant 0 : i32
      %gather3A_135 = arith.constant 0 : i32
      %gather3A_136 = tpu.memref_slice %arg5[%scan3A_65, %gather3A_134, %gather3A_135] : memref<2x1280x8xi32, #tpu.memory_space<vmem>> -> memref<1x1280x8xi32, #tpu.memory_space<vmem>>
      %gather3A_137 = tpu.memref_squeeze %gather3A_136 : memref<1x1280x8xi32, #tpu.memory_space<vmem>> -> memref<1280x8xi32, #tpu.memory_space<vmem>>
      %gather3A_138 = tpu.vector_load_idx %gather3A_137[%add3A_133, %and3A_4] : memref<1280x8xi32, #tpu.memory_space<vmem>>[vector<16xi32>, vector<16xi32>], vector<16xi32>,
      %gather3A_139 = arith.constant 0 : i32
      %gather3A_140 = arith.constant 0 : i32
      %gather3A_141 = tpu.memref_slice %arg6[%scan3A_66, %gather3A_139, %gather3A_140] : memref<2x1280x8xf32, #tpu.memory_space<vmem>> -> memref<1x1280x8xf32, #tpu.memory_space<vmem>>
      %gather3A_142 = tpu.memref_squeeze %gather3A_141 : memref<1x1280x8xf32, #tpu.memory_space<vmem>> -> memref<1280x8xf32, #tpu.memory_space<vmem>>
      %gather3A_143 = tpu.vector_load_idx %gather3A_142[%add3A_133, %and3A_4] : memref<1280x8xf32, #tpu.memory_space<vmem>>[vector<16xi32>, vector<16xi32>], vector<16xf32>,
      tpu.vector_store_idx %arg7[%gather3A_138, %and3A_4], %gather3A_143 masked %lt3A_8 {add = true} : memref<10000x8xf32, #tpu.memory_space<vmem>>[vector<16xi32>, vector<16xi32>], vector<16xf32>, vector<16xi1>
      tpu.vector_store_idx %arg7[%gather3A_138, %and3A_4], %gather3A_143 masked %ge3A_10 {add = true} : memref<10000x8xf32, #tpu.memory_space<vmem>>[vector<16xi32>, vector<16xi32>], vector<16xf32>, vector<16xi1>
      %add3A_144 = arith.constant 10 : i32
      %add3A_145 = vector.broadcast %add3A_144 : i32 to vector<16xi32>
      %add3A_146 = arith.addi %add3A_79, %add3A_145 : vector<16xi32>
      %gather3A_147 = arith.constant 0 : i32
      %gather3A_148 = arith.constant 0 : i32
      %gather3A_149 = tpu.memref_slice %arg5[%scan3A_65, %gather3A_147, %gather3A_148] : memref<2x1280x8xi32, #tpu.memory_space<vmem>> -> memref<1x1280x8xi32, #tpu.memory_space<vmem>>
      %gather3A_150 = tpu.memref_squeeze %gather3A_149 : memref<1x1280x8xi32, #tpu.memory_space<vmem>> -> memref<1280x8xi32, #tpu.memory_space<vmem>>
      %gather3A_151 = tpu.vector_load_idx %gather3A_150[%add3A_146, %and3A_4] : memref<1280x8xi32, #tpu.memory_space<vmem>>[vector<16xi32>, vector<16xi32>], vector<16xi32>,
      %gather3A_152 = arith.constant 0 : i32
      %gather3A_153 = arith.constant 0 : i32
      %gather3A_154 = tpu.memref_slice %arg6[%scan3A_66, %gather3A_152, %gather3A_153] : memref<2x1280x8xf32, #tpu.memory_space<vmem>> -> memref<1x1280x8xf32, #tpu.memory_space<vmem>>
      %gather3A_155 = tpu.memref_squeeze %gather3A_154 : memref<1x1280x8xf32, #tpu.memory_space<vmem>> -> memref<1280x8xf32, #tpu.memory_space<vmem>>
      %gather3A_156 = tpu.vector_load_idx %gather3A_155[%add3A_146, %and3A_4] : memref<1280x8xf32, #tpu.memory_space<vmem>>[vector<16xi32>, vector<16xi32>], vector<16xf32>,
      tpu.vector_store_idx %arg7[%gather3A_151, %and3A_4], %gather3A_156 masked %lt3A_8 {add = true} : memref<10000x8xf32, #tpu.memory_space<vmem>>[vector<16xi32>, vector<16xi32>], vector<16xf32>, vector<16xi1>
      tpu.vector_store_idx %arg7[%gather3A_151, %and3A_4], %gather3A_156 masked %ge3A_10 {add = true} : memref<10000x8xf32, #tpu.memory_space<vmem>>[vector<16xi32>, vector<16xi32>], vector<16xf32>, vector<16xi1>
      %add3A_157 = arith.constant 12 : i32
      %add3A_158 = vector.broadcast %add3A_157 : i32 to vector<16xi32>
      %add3A_159 = arith.addi %add3A_79, %add3A_158 : vector<16xi32>
      %gather3A_160 = arith.constant 0 : i32
      %gather3A_161 = arith.constant 0 : i32
      %gather3A_162 = tpu.memref_slice %arg5[%scan3A_65, %gather3A_160, %gather3A_161] : memref<2x1280x8xi32, #tpu.memory_space<vmem>> -> memref<1x1280x8xi32, #tpu.memory_space<vmem>>
      %gather3A_163 = tpu.memref_squeeze %gather3A_162 : memref<1x1280x8xi32, #tpu.memory_space<vmem>> -> memref<1280x8xi32, #tpu.memory_space<vmem>>
      %gather3A_164 = tpu.vector_load_idx %gather3A_163[%add3A_159, %and3A_4] : memref<1280x8xi32, #tpu.memory_space<vmem>>[vector<16xi32>, vector<16xi32>], vector<16xi32>,
      %gather3A_165 = arith.constant 0 : i32
      %gather3A_166 = arith.constant 0 : i32
      %gather3A_167 = tpu.memref_slice %arg6[%scan3A_66, %gather3A_165, %gather3A_166] : memref<2x1280x8xf32, #tpu.memory_space<vmem>> -> memref<1x1280x8xf32, #tpu.memory_space<vmem>>
      %gather3A_168 = tpu.memref_squeeze %gather3A_167 : memref<1x1280x8xf32, #tpu.memory_space<vmem>> -> memref<1280x8xf32, #tpu.memory_space<vmem>>
      %gather3A_169 = tpu.vector_load_idx %gather3A_168[%add3A_159, %and3A_4] : memref<1280x8xf32, #tpu.memory_space<vmem>>[vector<16xi32>, vector<16xi32>], vector<16xf32>,
      tpu.vector_store_idx %arg7[%gather3A_164, %and3A_4], %gather3A_169 masked %lt3A_8 {add = true} : memref<10000x8xf32, #tpu.memory_space<vmem>>[vector<16xi32>, vector<16xi32>], vector<16xf32>, vector<16xi1>
      tpu.vector_store_idx %arg7[%gather3A_164, %and3A_4], %gather3A_169 masked %ge3A_10 {add = true} : memref<10000x8xf32, #tpu.memory_space<vmem>>[vector<16xi32>, vector<16xi32>], vector<16xf32>, vector<16xi1>
      %add3A_170 = arith.constant 14 : i32
      %add3A_171 = vector.broadcast %add3A_170 : i32 to vector<16xi32>
      %add3A_172 = arith.addi %add3A_79, %add3A_171 : vector<16xi32>
      %gather3A_173 = arith.constant 0 : i32
      %gather3A_174 = arith.constant 0 : i32
      %gather3A_175 = tpu.memref_slice %arg5[%scan3A_65, %gather3A_173, %gather3A_174] : memref<2x1280x8xi32, #tpu.memory_space<vmem>> -> memref<1x1280x8xi32, #tpu.memory_space<vmem>>
      %gather3A_176 = tpu.memref_squeeze %gather3A_175 : memref<1x1280x8xi32, #tpu.memory_space<vmem>> -> memref<1280x8xi32, #tpu.memory_space<vmem>>
      %gather3A_177 = tpu.vector_load_idx %gather3A_176[%add3A_172, %and3A_4] : memref<1280x8xi32, #tpu.memory_space<vmem>>[vector<16xi32>, vector<16xi32>], vector<16xi32>,
      %gather3A_178 = arith.constant 0 : i32
      %gather3A_179 = arith.constant 0 : i32
      %gather3A_180 = tpu.memref_slice %arg6[%scan3A_66, %gather3A_178, %gather3A_179] : memref<2x1280x8xf32, #tpu.memory_space<vmem>> -> memref<1x1280x8xf32, #tpu.memory_space<vmem>>
      %gather3A_181 = tpu.memref_squeeze %gather3A_180 : memref<1x1280x8xf32, #tpu.memory_space<vmem>> -> memref<1280x8xf32, #tpu.memory_space<vmem>>
      %gather3A_182 = tpu.vector_load_idx %gather3A_181[%add3A_172, %and3A_4] : memref<1280x8xf32, #tpu.memory_space<vmem>>[vector<16xi32>, vector<16xi32>], vector<16xf32>,
      tpu.vector_store_idx %arg7[%gather3A_177, %and3A_4], %gather3A_182 masked %lt3A_8 {add = true} : memref<10000x8xf32, #tpu.memory_space<vmem>>[vector<16xi32>, vector<16xi32>], vector<16xf32>, vector<16xi1>
      tpu.vector_store_idx %arg7[%gather3A_177, %and3A_4], %gather3A_182 masked %ge3A_10 {add = true} : memref<10000x8xf32, #tpu.memory_space<vmem>>[vector<16xi32>, vector<16xi32>], vector<16xf32>, vector<16xi1>
      %scan3A_183 = arith.constant 0 : i32
      scf.yield %scan3A_183 : i32
    }
    %scan3A_73 = arith.constant 80 : i32
    "tpu.region"() ({
      %run_scoped3A = tpu.sem_alloc : memref<!tpu.dma_semaphore, #tpu.memory_space<semaphore_mem>>
      %dma_start3A_74 = arith.constant 0 : i32
      %dma_start3A_75 = tpu.memref_slice %arg4[%arg0, %dma_start3A_74, %mul3A_0] : memref<2x10000x128xf32, #tpu.memory_space<hbm>> -> memref<1x10000x8xf32, #tpu.memory_space<hbm>>
      %dma_start3A_76 = tpu.memref_squeeze %dma_start3A_75 : memref<1x10000x8xf32, #tpu.memory_space<hbm>> -> memref<10000x8xf32, #tpu.memory_space<hbm>>
      %dma_start3A_77 = arith.constant 0 : i32
      %dma_start3A_78 = tpu.memref_slice %arg4[%arg0, %dma_start3A_77, %mul3A_0] : memref<2x10000x128xf32, #tpu.memory_space<hbm>> -> memref<1x10000x8xf32, #tpu.memory_space<hbm>>
      %dma_start3A_79 = tpu.memref_squeeze %dma_start3A_78 : memref<1x10000x8xf32, #tpu.memory_space<hbm>> -> memref<10000x8xf32, #tpu.memory_space<hbm>>
      tpu.enqueue_dma source(%arg7 : memref<10000x8xf32, #tpu.memory_space<vmem>>) target(%dma_start3A_79 : memref<10000x8xf32, #tpu.memory_space<hbm>>) target_semaphore(%run_scoped3A : memref<!tpu.dma_semaphore, #tpu.memory_space<semaphore_mem>>)
      %dma_wait3A_80 = arith.constant 0 : i32
      %dma_wait3A_81 = tpu.memref_slice %arg4[%arg0, %dma_wait3A_80, %mul3A_0] : memref<2x10000x128xf32, #tpu.memory_space<hbm>> -> memref<1x10000x8xf32, #tpu.memory_space<hbm>>
      %dma_wait3A_82 = tpu.memref_squeeze %dma_wait3A_81 : memref<1x10000x8xf32, #tpu.memory_space<hbm>> -> memref<10000x8xf32, #tpu.memory_space<hbm>>
      %dma_wait3A_83 = arith.constant 0 : i32
      %dma_wait3A_84 = tpu.memref_slice %arg4[%arg0, %dma_wait3A_83, %mul3A_0] : memref<2x10000x128xf32, #tpu.memory_space<hbm>> -> memref<1x10000x8xf32, #tpu.memory_space<hbm>>
      %dma_wait3A_85 = tpu.memref_squeeze %dma_wait3A_84 : memref<1x10000x8xf32, #tpu.memory_space<hbm>> -> memref<10000x8xf32, #tpu.memory_space<hbm>>
      tpu.wait_dma2 semaphore(%run_scoped3A : memref<!tpu.dma_semaphore, #tpu.memory_space<semaphore_mem>>) src(%arg7 : memref<10000x8xf32, #tpu.memory_space<vmem>>) dst(%dma_wait3A_85 : memref<10000x8xf32, #tpu.memory_space<hbm>>)
      tpu.yield
    }) : () -> ()
    return
  }
}

module attributes {stable_mosaic.version = 14 : i64} {
  func.func @_check_body(%arg0: i32, %arg1: memref<2000x128xf32, #tpu.memory_space<vmem>>, %arg2: memref<2x2000x128xf32, #tpu.memory_space<vmem>>, %arg3: memref<1xi32, #tpu.memory_space<smem>>) attributes {dimension_semantics = [#tpu.dimension_semantics<arbitrary>], iteration_bounds = array<i64: 5>, scalar_prefetch = 0 : i64, scratch_operands = 0 : i64, tpu.core_type = #tpu.core_type<tc>, window_params = [{transform_indices = @transform_0, window_bounds = array<i64: 2000, 128>}, {transform_indices = @transform_1, window_bounds = array<i64: 2, 2000, 128>}, {transform_indices = @transform_2, window_bounds = array<i64: 1>}]} {
    %eq3A = arith.constant 0 : i32
    %eq3A_0 = arith.cmpi eq, %arg0, %eq3A : i32
    %convert_element_type3A = arith.extui %eq3A_0 : i1 to i32
    %cond3A = arith.constant 0 : i32
    %cond3A_1 = arith.cmpi ne, %convert_element_type3A, %cond3A : i32
    scf.if %cond3A_1 {
      %swap3A = arith.constant 0 : i32
      %swap3A_29 = arith.constant 0 : index
      %swap3A_30 = memref.load %arg3[%swap3A_29] : memref<1xi32, #tpu.memory_space<smem>>
      memref.store %swap3A, %arg3[%swap3A_29] : memref<1xi32, #tpu.memory_space<smem>>
    } else {
    }
    %get3A = arith.constant 0 : index
    %get3A_2 = arith.constant 0 : index
    %get3A_3 = vector.load %arg1[%get3A, %get3A_2] : memref<2000x128xf32, #tpu.memory_space<vmem>>, vector<2000x128xf32>
    %get3A_4 = arith.constant 0 : index
    %get3A_5 = arith.constant 0 : index
    %get3A_6 = arith.constant 0 : index
    %get3A_7 = vector.load %arg2[%get3A_4, %get3A_5, %get3A_6] : memref<2x2000x128xf32, #tpu.memory_space<vmem>>, vector<1x2000x128xf32>
    %get3A_8 = vector.shape_cast %get3A_7 : vector<1x2000x128xf32> to vector<2000x128xf32>
    %add3A = arith.addf %get3A_3, %get3A_8 : vector<2000x128xf32>
    %get3A_9 = arith.constant 1 : index
    %get3A_10 = arith.constant 0 : index
    %get3A_11 = arith.constant 0 : index
    %get3A_12 = vector.load %arg2[%get3A_9, %get3A_10, %get3A_11] : memref<2x2000x128xf32, #tpu.memory_space<vmem>>, vector<1x2000x128xf32>
    %get3A_13 = vector.shape_cast %get3A_12 : vector<1x2000x128xf32> to vector<2000x128xf32>
    %add3A_14 = arith.addf %add3A, %get3A_13 : vector<2000x128xf32>
    %ne3A = arith.cmpf one, %add3A_14, %add3A_14 : vector<2000x128xf32>
    %reduce_or3A = arith.constant 1.000000e+00 : f32
    %reduce_or3A_15 = arith.constant 0.000000e+00 : f32
    %reduce_or3A_16 = vector.broadcast %reduce_or3A : f32 to vector<2000x128xf32>
    %reduce_or3A_17 = vector.broadcast %reduce_or3A_15 : f32 to vector<2000x128xf32>
    %reduce_or3A_18 = arith.select %ne3A, %reduce_or3A_16, %reduce_or3A_17 : vector<2000x128xi1>, vector<2000x128xf32>
    %reduce_or3A_19 = vector.shape_cast %reduce_or3A_18 : vector<2000x128xf32> to vector<1x2000x128xf32>
    %reduce_or3A_20 = arith.constant dense<0xFF800000> : vector<1xf32>
    %reduce_or3A_21 = vector.multi_reduction <maximumf>, %reduce_or3A_19, %reduce_or3A_20 [1, 2] : vector<1x2000x128xf32> to vector<1xf32>
    %reduce_or3A_22 = vector.shape_cast %reduce_or3A_21 : vector<1xf32> to vector<1x1x1xf32>
    %reduce_or3A_23 = vector.extract %reduce_or3A_22[0, 0, 0] : f32 from vector<1x1x1xf32>
    %reduce_or3A_24 = arith.constant 0.000000e+00 : f32
    %reduce_or3A_25 = arith.cmpf ogt, %reduce_or3A_23, %reduce_or3A_24 : f32
    %convert_element_type3A_26 = arith.extui %reduce_or3A_25 : i1 to i32
    %cond3A_27 = arith.constant 0 : i32
    %cond3A_28 = arith.cmpi ne, %convert_element_type3A_26, %cond3A_27 : i32
    scf.if %cond3A_28 {
      %swap3A = arith.constant 1 : i32
      %swap3A_29 = arith.constant 0 : index
      %swap3A_30 = memref.load %arg3[%swap3A_29] : memref<1xi32, #tpu.memory_space<smem>>
      memref.store %swap3A, %arg3[%swap3A_29] : memref<1xi32, #tpu.memory_space<smem>>
    } else {
    }
    return
  }
  func.func @transform_0(%arg0: i32) -> (i32, i32) {
    %c0_i32 = arith.constant 0 : i32
    %c0_i32_0 = arith.constant 0 : i32
    return %arg0, %c0_i32 : i32, i32
  }
  func.func @transform_1(%arg0: i32) -> (i32, i32, i32) {
    %c0_i32 = arith.constant 0 : i32
    %c0_i32_0 = arith.constant 0 : i32
    %c0_i32_1 = arith.constant 0 : i32
    return %c0_i32, %arg0, %c0_i32_0 : i32, i32, i32
  }
  func.func @transform_2(%arg0: i32) -> i32 {
    %c0_i32 = arith.constant 0 : i32
    %c0_i32_0 = arith.constant 0 : i32
    return %c0_i32 : i32
  }
}

</mosaic_0001>

<sc_bundles>
// kernel: kernel.4.cloned.1.call-start
scs
__scs_entry_jumppad:
0x0: {  	(pc) =	sbr.rel $0x88, $3  }
0x1: {  	(tag) =	ssettag $0x0;
	lr =	simm.s32 $0x1  }
0x2: {  	[smem:$0x3F9E] =	sst lr;
	_ =	strace $0xD0000000  }
0x3: {  	_ = 	snop  }
0x4: {  	_ = 	snop  }
0x5: {  	_ = 	snop  }
0x6: {  	_ = 	snop  }
0x7: {  	_ = 	snop  }
__scs_overlays_trampoline_lowered:
0x8: {  	[smem:$0x3FAD] =	sst s0  }
0x9: {  	[smem:$0x3FAE] =	sst s1  }
0xa: {  	[smem:$0x3FAF] =	sst s2  }
0xb: {  	[smem:$0x3FB0] =	sst s3  }
0xc: {  	[smem:$0x3FB1] =	sst s4  }
0xd: {  	[smem:$0x3FB2] =	sst s5  }
0xe: {  	[smem:$0x3FB3] =	sst s6  }
0xf: {  	[smem:$0x3FB4] =	sst s7  }
0x10: {  	[smem:$0x3FB5] =	sst s8  }
0x11: {  	[smem:$0x3FB6] =	sst s9;
	s0 =	simm.s32 @!p0 $0x0  }
0x12: {  	s1 =	sld [smem:$0x3F9C];
	s0 =	simm.s32 @p0 $0x1  }
0x13: {  	[smem:$0x3FB7] =	sst s0;
	s0 =	simm.s32 @!p1 $0x0  }
0x14: {  	s2 =	sld [smem:$0x3F9B];
	s0 =	simm.s32 @p1 $0x1  }
0x15: {  	[smem:$0x3FB8] =	sst s0;
	s0 =	simm.s32 @!p2 $0x0  }
0x16: {  	s3 =	sld [smem:$0x3FDB];
	s0 =	simm.s32 @p2 $0x1  }
0x17: {  	s4 =	simm.s32 $0x1BF5;
	[smem:$0x3FBA] =	sst s0  }
0x18: {  	s0 =	sld [smem:$0x3F9D];
	_ =	swait.ge [sflag:s4], $0x0  }
0x19: {  	s7 =	sld [smem:$0x3F9E]  }
0x1a: {  	s8 =	sadd.s32 $0xFFFFE003, lr  }
0x1b: {  	s9 =	sadd.s32 $0xFFFFFEF7, lr;
	s5 =	simm.s32 $0xFFFFFFFF;
	p2 =	slt.u32 s8, $0xFFFFF086  }
0x1c: {  	p1 =	slt.u32 s9, $0xF7A;
	s5 =	simm.s32 @!p2 $0x0  }
0x1d: {  	s5 =	simm.s32 @p1 $0x1;
	p0 =	seq.s32 s7, s2  }
0x1e: {  	s7 =	smul.u32 @!p0 $0xF7A, s2;
	p2 =	seq.s32 @!p0 s5, $0x0  }
0x1f: {  	s9 =	smul.u32 $0xF7A, s1;
	s8 =	simm.s32 @!p0 $0x1BF5;
	p2 =	por !p2, p0  }
0x20: {  	[sflag:s8] =	ssyncset.s32 @!p0 $0xFFFFF086;
	s6 =	sadd.s32 @!p0 s3, s7;
	s7 =	simm.s32 @!p0 $0x108  }
0x21: {  	s3 =	sadd.s32 s3, s9;
	s6 =	sadd.s32 @!p0 $0x88, s6;
	s7 =	simm.s32 @p2 $0x1082  }
0x22: {  	[simem:s7], [sflag:s8] =	dma.local @!p0 [hbm:s6], $0xF7A  }
0x23: {  	s9 =	sor.u32 $0xD0000000, s2;
	s6 =	simm.s32 $0x108;
	_ =	swait.ge @!p0 [sflag:s8], $0x0  }
0x24: {  	s3 =	sadd.s32 $0x88, s3;
	s6 =	simm.s32 @!p1 $0x1082;
	[sflag:s4] =	ssyncset.s32 $0xFFFFF086  }
0x25: {  	[simem:s6], [sflag:s4] =	dma.local [hbm:s3], $0xF7A  }
0x26: {  	[smem:$0x3F9E] =	sst s1;
	(tag) =	ssettag s2;
	_ =	strace s9  }
0x27: {  	s1 =	sld [smem:$0x3FAE]  }
0x28: {  	s2 =	sld [smem:$0x3FAF]  }
0x29: {  	s4 =	sld [smem:$0x3FB1]  }
0x2a: {  	p0 =	seq.s32 s5, $0x0;
	s5 =	sld [smem:$0x3FB2]  }
0x2b: {  	s6 =	sld [smem:$0x3FB3]  }
0x2c: {  	s7 =	sld [smem:$0x3FB4]  }
0x2d: {  	s3 =	simm.s32 $0x108;
	s8 =	sld [smem:$0x3FB5]  }
0x2e: {  	s3 =	simm.s32 @!p0 $0x1082;
	s9 =	sld [smem:$0x3FB6]  }
0x2f: {  	lr =	sadd.s32 s0, s3;
	s0 =	sld [smem:$0x3FAD]  }
0x30: {  	s3 =	sld [smem:$0x3FB0]  }
0x31: {  	[smem:$0x3FB9] =	sst s10  }
0x32: {  	s10 =	sld [smem:$0x3FB7];
	_ =	sdelay $0x3  }
0x33: {  	p0 =	seq.s32 s10, $0x1;
	s10 =	sld [smem:$0x3FB9];
	_ =	sdelay $0x3  }
0x34: {  	[smem:$0x3FB9] =	sst s10  }
0x35: {  	s10 =	sld [smem:$0x3FB8];
	_ =	sdelay $0x3  }
0x36: {  	p1 =	seq.s32 s10, $0x1;
	s10 =	sld [smem:$0x3FB9];
	_ =	sdelay $0x3  }
0x37: {  	[smem:$0x3FB9] =	sst s10  }
0x38: {  	s10 =	sld [smem:$0x3FBA]  }
0x39: {  	_ = 	snop;
	(pc) =	sbr.ind lr, $3  }
0x3a: {  	_ = 	snop  }
0x3b: {  	_ = 	snop  }
0x3c: {  	p2 =	seq.s32 s10, $0x1;
	s10 =	sld [smem:$0x3FB9]  }
0x3d: {  	_ =	shalt  }
0x3e: {  	_ =	shalt  }
0x3f: {  	_ =	shalt  }
0x40: {  	_ =	shalt  }
0x41: {  	_ =	shalt  }
0x42: {  	_ =	shalt  }
0x43: {  	_ =	shalt  }
0x44: {  	_ =	shalt  }
0x45: {  	_ =	shalt  }
0x46: {  	_ =	shalt  }
0x47: {  	_ =	shalt  }
0x48: {  	_ =	shalt  }
0x49: {  	_ =	shalt  }
0x4a: {  	_ =	shalt  }
0x4b: {  	_ =	shalt  }
0x4c: {  	_ =	shalt  }
0x4d: {  	_ =	shalt  }
0x4e: {  	_ =	shalt  }
0x4f: {  	_ =	shalt  }
0x50: {  	_ =	shalt  }
0x51: {  	_ =	shalt  }
0x52: {  	_ =	shalt  }
0x53: {  	_ =	shalt  }
0x54: {  	_ =	shalt  }
0x55: {  	_ =	shalt  }
0x56: {  	_ =	shalt  }
0x57: {  	_ =	shalt  }
0x58: {  	_ =	shalt  }
0x59: {  	_ =	shalt  }
0x5a: {  	_ =	shalt  }
0x5b: {  	_ =	shalt  }
0x5c: {  	_ =	shalt  }
0x5d: {  	_ =	shalt  }
0x5e: {  	_ =	shalt  }
0x5f: {  	_ =	shalt  }
0x60: {  	_ =	shalt  }
0x61: {  	_ =	shalt  }
0x62: {  	_ =	shalt  }
0x63: {  	_ =	shalt  }
0x64: {  	_ =	shalt  }
0x65: {  	_ =	shalt  }
0x66: {  	_ =	shalt  }
0x67: {  	_ =	shalt  }
0x68: {  	_ =	shalt  }
0x69: {  	_ =	shalt  }
0x6a: {  	_ =	shalt  }
0x6b: {  	_ =	shalt  }
0x6c: {  	_ =	shalt  }
0x6d: {  	_ =	shalt  }
0x6e: {  	_ =	shalt  }
0x6f: {  	_ =	shalt  }
0x70: {  	_ =	shalt  }
0x71: {  	_ =	shalt  }
0x72: {  	_ =	shalt  }
0x73: {  	_ =	shalt  }
0x74: {  	_ =	shalt  }
0x75: {  	_ =	shalt  }
0x76: {  	_ =	shalt  }
0x77: {  	_ =	shalt  }
0x78: {  	_ =	shalt  }
0x79: {  	_ =	shalt  }
0x7a: {  	_ =	shalt  }
0x7b: {  	_ =	shalt  }
0x7c: {  	_ =	shalt  }
0x7d: {  	_ =	shalt  }
0x7e: {  	_ =	shalt  }
0x7f: {  	_ =	shalt  }
0x80: {  	_ =	shalt  }
0x81: {  	_ =	shalt  }
0x82: {  	_ =	shalt  }
0x83: {  	_ =	shalt  }
0x84: {  	_ =	shalt  }
0x85: {  	_ =	shalt  }
0x86: {  	_ =	shalt  }
0x87: {  	_ =	shalt  }
.Lfunc_end0:
.L_simem_size_0:
called_computation_lowered:
.L_overlay_start_0:
0x88: {  	s2 =	sld [smem:$0x3FD9]  }
0x89: {  	s3 =	sld [smem:$0x3FFE];
	_ =	sdelay $0x1  }
0x8a: {  	s1 =	srdreg.scid  }
0x8b: {  	s0 =	sand.u32 $0x1, s1  }
0x8c: {  	s17 =	sshll.u32 s0, $0xA;
	s2 =	sadd.s32 s3, s2  }
0x8d: {  	s2 =	sadd.s32 s2, s17  }
0x8e: {  	[smem:$0x3FC5] =	sst s2  }
0x8f: {  	_ = 	snop  }
0x90: {  	s2 =	sld [smem:$0x3FC8]  }
0x91: {  	s18 =	sld [smem:$0x3FC7];
	(tm) =	ssettm $0x1  }
0x92: {  	s4 =	sld [smem:$0x3FFB];
	_ =	sdelay $0x3  }
0x93: {  	_ =	strace s4  }
0x94: {  	s4 =	sld [smem:$0x3FFC];
	_ =	sdelay $0x3  }
0x95: {  	_ =	strace s4  }
0x96: {  	s4 =	sld [smem:$0x3FFD];
	_ =	sdelay $0x3  }
0x97: {  	_ =	strace s4  }
0x98: {  	_ =	strace $0x8FFFFFFF  }
0x99: {  	s19 =	sld [smem:$0x3FDB];
	_ =	sdelay $0x1  }
0x9a: {  	s5 =	simm.s32 $_scs_section_size  }
0x9b: {  	s6 =	simm.s32 $_size__tile_overlayer_lowered;
	s7 =	simm.s32 $_tile_overlayer_lowered  }
0x9c: {  	s22 =	simm.s32 $0x1BFF;
	s21 =	sshll.u32 s7, $0x1;
	s4 =	sadd.s32 s5, s19  }
0x9d: {  	s8 =	simm.s32 $0x0;
	s20 =	sshll.u32 s6, $0x1;
	s6 =	sadd.s32 s21, s4  }
0x9e: {  	[timem:s8], [sflag:s22] =	dma.local [hbm:s6], s20  }
0x9f: {  	_ =	swait.ge [sflag:s22], s20  }
0xa0: {  	s5 =	ssub.s32 $0x0, s20;
	[sflag:s22] =	ssyncset.done $0x0  }
0xa1: {  	[sflag:s22] =	ssyncadd.s32 s5;
	_ =	sdelay $0x1  }
0xa2: {  	s23 =	simm.s32 $0x1B8B  }
0xa3: {  	_ =	swait.ge [sflag:s23], $0x1  }
0xa4: {  	[sflag:s23] =	ssyncset.done $0x0  }
0xa5: {  	s25 =	simm.s32 $0x1B8E;
	s24 =	sld [smem:$0x3FFE];
	[sflag:s23] =	ssyncadd.s32 $0xFFFFFFFF  }
0xa6: {  	s26 =	simm.s32 $execute0_lowered;
	[smem:$0x3FD2] =	sst s25  }
0xa7: {  	s6 =	sshll.u32 s26, $0x1;
	_ =	strace $0x80000046;
	[dreg:$0x1] =	wrdreg $0xFFFFFFFF  }
0xa8: {  	s28 =	simm.s32 $_size_execute0_lowered;
	s4 =	sadd.s32 s4, s6;
	[dreg:$0x0] =	wrdreg $0x0  }
0xa9: {  	s6 =	sshll.u32 s28, $0x1;
	[dreg:$0x2] =	wrdreg s4  }
0xaa: {  	[dreg:$0x3] =	wrdreg s6  }
0xab: {  	[dreg:$0x4] =	wrdreg $0xC0  }
0xac: {  	_ =	task [dreg:s8], $0x5FFFF  }
0xad: {  	[dreg:$0x1] =	wrdreg $0xFFFFFFFF  }
0xae: {  	[dreg:$0x0] =	wrdreg $0x60  }
0xaf: {  	[dreg:$0x2] =	wrdreg s2  }
0xb0: {  	[dreg:$0x3] =	wrdreg s18  }
0xb1: {  	[dreg:$0x4] =	wrdreg s24  }
0xb2: {  	[dreg:$0x5] =	wrdreg $0x9  }
0xb3: {  	_ =	task.clear_ibuf [dreg:s8], $0x6FFFF;
	_ =	strace $0x90000046  }
0xb4: {  	s29 =	simm.s32 $0x9;
	_ =	strace $0x80000048  }
0xb5: {  	_ =	swait.ge [sflag:s29], $0x1  }
0xb6: {  	[sflag:s29] =	ssyncadd.s32 $0xFFFFFFFF  }
0xb7: {  	_ =	strace $0x90000048  }
0xb8: {  	_ =	sfence  }
0xb9: {  	s30 =	sld [smem:$0x0];
	_ =	sdelay $0x2  }
0xba: {  	s31 =	sshll.u32 s1, $0xD;
	s1 =	sshrl.u32 s1, $0x2  }
0xbb: {  	s3 =	sand.u32 $0x4000, s31;
	s1 =	sadd.s32 s1, s30  }
0xbc: {  	s0 =	sor.u32 s3, s0;
	s1 =	sshll.u32 s1, $0x11  }
0xbd: {  	s0 =	sor.u32 s1, s0  }
0xbe: {  	s0 =	sadd.s32 $0x8F2B, s0  }
0xbf: {  	[sflag:s0] =	ssyncadd.remote.s32 $0x1  }
0xc0: {  	_ =	sfence.sel $0xFFFF  }
0xc1: {  	[dreg:$0x0] =	wrdreg $0xFFFFFFFF;
	(pc) =	sbr.abs _section_cstart, $3  }
0xc2: {  	[dreg:$0x1] =	wrdreg $0xFFFFFFFF  }
0xc3: {  	_ =	task.clear_ibuf [dreg:s8], $0x2FFFF;
	_ =	strace $0x9FFFFFFF  }
0xc4: {  	(tm) =	ssettm $0x7FFFFFFF  }
0xc5: {  	_ =	shalt  }
tec
execute0_lowered:
.L_overlay_start_1:
0x0: {  	(tag) =	ssettag $0x1  }
0x1: {  	s1 =	rddreg [dreg:$0x0]  }
0x2: {  	s2 =	rddreg [dreg:$0x1]  }
0x3: {  	s5 =	rddreg [dreg:$0x2]  }
0x4: {  	s0 =	rddreg [dreg:$0x3]  }
0x5: {  	s4 =	simm.s32 $0x0;
	s3 =	srdreg.scid;
	s12 =	simm.s32 $0x8  }
0x6: {  	s13 =	simm.s32 $0x80;
	s14 =	simm.s32 $0x5000;
	s15 =	simm.s32 $0x1  }
0x7: {  	s16 =	simm.s32 $0x2800;
	s17 =	simm.s32 $0x7800;
	s18 =	simm.s32 $0x2  }
0x8: {  	v1 =	vlaneseq.u32;
	s19 =	simm.s32 $0x3;
	[smem:$0x7FF] =	sst s4;
	s6 =	sand.u32 $0x1, s3  }
0x9: {  	s20 =	simm.s32 $0x0;
	s3 =	stileid.u32;
	v0 =	vshrl.u32 v1, $0x3;
	s7 =	smul.u32 $0x271000, s6  }
0xa: {  	_ =	strace $0x80000047;
	s30 =	ssub.s32 $0x2, s6;
	s10 =	smul.u32 $0x27100, s6;
	v0 =	vmul.u32 $0x8, v0  }
0xb: {  	v2 =	vimm.f32 $0.0e+00;
	s9 =	sadd.s32 s3, s5;
	s8 =	sshrl.u32 s30, $0x1;
	s31 =	sor.u32 s3, s7  }
0xc: {  	vm0 =	vcmask $0x3F20;
	v1 =	vand.u32 $0x7, v1;
	s11 =	ssub.s32 s30, s8;
	s7 =	sadd.s32 $0x500, s10;
	s8 =	sadd.s32 $0xA00, s10;
	v3 =	vor.u32 $0x70, v0  }
0xd: {  	s9 =	sadd.s32 s10, s9;
	v4 =	vor.u32 $0x60, v0;
	v5 =	vor.u32 $0x50, v0;
	v6 =	vor.u32 $0x40, v0;
	s5 =	sadd.s32 s1, s31;
	s6 =	sadd.s32 s2, s31  }
0xe: {  	v7 =	vor.u32 $0x30, v0;
	v8 =	vor.u32 $0x20, v0;
	v9 =	vor.u32 $0x10, v0;
	s9 =	sadd.s32 $0x800, s9;
	s10 =	smax.u32 s11, $0x1;
	s11 =	simm.s32 $0xA000  }
.LBB2_1:
0xf: {  	s21 =	simm.s32 $0xE;
	s22 =	simm.s32 $0x2;
	s23 =	simm.s32 $0xC  }
0x10: {  	s26 =	simm.s32 $0x4;
	s28 =	simm.s32 $0x6;
	s29 =	simm.s32 $0x0;
	v10 =	vmov s21;
	v11 =	vmov s22;
	v12 =	vmov s23  }
0x11: {  	s30 =	simm.s32 $0x8;
	s31 =	simm.s32 $0xA;
	v13 =	vmov s26;
	v14 =	vmov s28;
	v15 =	vmov s29  }
0x12: {  	v16 =	vmov s30;
	v17 =	vmov s31;
	v10 =	vshll.u32 v10, $0x3  }
0x13: {  	s28 =	simm.s32 $0x16;
	s29 =	simm.s32 $0x10;
	s30 =	simm.s32 $0x18;
	v12 =	vshll.u32 v12, $0x3;
	v15 =	vshll.u32 v15, $0x3;
	v11 =	vshll.u32 v11, $0x3  }
0x14: {  	s31 =	simm.s32 $0x1A;
	v21 =	vmov s28;
	v22 =	vmov s29;
	v23 =	vmov s30  }
0x15: {  	v61 =	vmov s31;
	v12 =	vor.u32 v0, v12;
	v11 =	vor.u32 v0, v11  }
0x16: {  	v18 =	vor.u32 v1, v12;
	v12 =	vshll.u32 v13, $0x3;
	v13 =	vshll.u32 v14, $0x3  }
0x17: {  	v14 =	vor.u32 v0, v15;
	v15 =	vshll.u32 v16, $0x3;
	v16 =	vshll.u32 v17, $0x3  }
0x18: {  	v17 =	vor.u32 v0, v10;
	v19 =	vor.u32 v1, v11;
	v12 =	vor.u32 v0, v12  }
0x19: {  	v13 =	vor.u32 v0, v13;
	v15 =	vor.u32 v0, v15;
	v16 =	vor.u32 v0, v16  }
0x1a: {  	s25 =	simm.s32 $0x1C;
	v14 =	vor.u32 v1, v14;
	v20 =	vor.u32 v1, v12;
	v13 =	vor.u32 v1, v13  }
0x1b: {  	s23 =	simm.s32 $0x1E;
	v10 =	vor.u32 v1, v15;
	v12 =	vor.u32 v1, v17;
	v17 =	vmov s25  }
0x1c: {  	s24 =	simm.s32 $0x12;
	v15 =	vmov s23;
	v11 =	vor.u32 v1, v16;
	v17 =	vshll.u32 v17, $0x3  }
0x1d: {  	s26 =	simm.s32 $0x14;
	v16 =	vmov s24;
	v15 =	vshll.u32 v15, $0x3;
	v17 =	vor.u32 v0, v17;
	[tilespmem:v18+s11+$0x0] =	vst.idx.msk $0xffff, v2  }
0x1e: {  	v16 =	vshll.u32 v16, $0x3;
	v18 =	vmov s26;
	v24 =	vor.u32 v1, v17;
	[tilespmem:v19+s11+$0x0] =	vst.idx.msk $0xffff, v2  }
0x1f: {  	v19 =	vshll.u32 v23, $0x3;
	[tilespmem:v14+s11+$0x0] =	vst.idx.msk $0xffff, v2;
	v14 =	vshll.u32 v22, $0x3;
	v17 =	vshll.u32 v18, $0x3  }
0x20: {  	v18 =	vshll.u32 v21, $0x3;
	v19 =	vor.u32 v0, v19;
	[tilespmem:v20+s11+$0x0] =	vst.idx.msk $0xffff, v2;
	v14 =	vor.u32 v0, v14  }
0x21: {  	v20 =	vshll.u32 v61, $0x3;
	[tilespmem:v13+s11+$0x0] =	vst.idx.msk $0xffff, v2;
	v13 =	vor.u32 v0, v16;
	v62 =	vor.u32 v0, v17  }
0x22: {  	v63 =	vor.u32 v0, v18;
	v17 =	vor.u32 v0, v15;
	v19 =	vor.u32 v1, v19  }
0x23: {  	v18 =	vor.u32 v0, v20;
	v16 =	vor.u32 v1, v14;
	v14 =	vor.u32 v1, v13  }
0x24: {  	s21 =	simm.s32 $0x8;
	s22 =	simm.s32 $0x2E;
	v15 =	vor.u32 v1, v62;
	v13 =	vor.u32 v1, v63;
	[tilespmem:v24+s11+$0x0] =	vst.idx.msk $0xffff, v2  }
.LBB2_2:
0x25: {  	s23 =	sadd.s32 $0xFFFFFFF4, s22;
	s24 =	sadd.s32 $0xFFFFFFFE, s22;
	v20 =	vmov s22;
	s21 =	sadd.s32 $0x8, s21;
	v18 =	vor.u32 v1, v18;
	v17 =	vor.u32 v1, v17;
	[tilespmem:v10+s11+$0x0] =	vst.idx.msk $0xffff, v2;
	v10 =	vmovc v19  }
0x26: {  	s25 =	sadd.s32 $0xFFFFFFF8, s22;
	v19 =	vmov s23;
	s23 =	sadd.s32 $0xFFFFFFF6, s22;
	v21 =	vmov s24;
	v20 =	vshll.u32 v20, $0x3;
	p0 =	slt.u32 s21, $0x1380;
	[tilespmem:v11+s11+$0x0] =	vst.idx.msk $0xffff, v2;
	v11 =	vmovc v18  }
0x27: {  	s24 =	sadd.s32 $0xFFFFFFF2, s22;
	v22 =	vmov s25;
	s25 =	sadd.s32 $0xFFFFFFFC, s22;
	v18 =	vmov s23;
	s23 =	sadd.s32 $0xFFFFFFFA, s22;
	v21 =	vshll.u32 v21, $0x3;
	[tilespmem:v12+s11+$0x0] =	vst.idx.msk $0xffff, v2;
	v12 =	vmovc v17  }
0x28: {  	v17 =	vmov s24;
	v23 =	vmov s23;
	v21 =	vor.u32 v0, v21;
	[tilespmem:v16+s11+$0x0] =	vst.idx.msk $0xffff, v2  }
0x29: {  	v16 =	vshll.u32 v17, $0x3;
	v17 =	vmov s25;
	v21 =	vor.u32 v1, v21;
	[tilespmem:v14+s11+$0x0] =	vst.idx.msk $0xffff, v2  }
0x2a: {  	v18 =	vshll.u32 v18, $0x3;
	v14 =	vshll.u32 v19, $0x3;
	v19 =	vshll.u32 v22, $0x3;
	[tilespmem:v15+s11+$0x0] =	vst.idx.msk $0xffff, v2  }
.Ltmp0:
0x2b: {  	v17 =	vshll.u32 v17, $0x3;
	v15 =	vor.u32 v0, v16;
	v16 =	vshll.u32 v23, $0x3;
	[tilespmem:v13+s11+$0x0] =	vst.idx.msk $0xffff, v2;
	(pc) =	sbr.rel @p0 .LBB2_2-.Ltmp0, $4  }
0x2c: {  	v22 =	vor.u32 v0, v18;
	v19 =	vor.u32 v0, v19;
	v13 =	vor.u32 v0, v14  }
0x2d: {  	v18 =	vor.u32 v0, v17;
	v17 =	vor.u32 v0, v20;
	v23 =	vor.u32 v0, v16  }
0x2e: {  	v16 =	vor.u32 v1, v15;
	v14 =	vor.u32 v1, v13;
	[tilespmem:v21+s11+$0x0] =	vst.idx.msk $0xffff, v2  }
0x2f: {  	s22 =	sadd.s32 $0x10, s22;
	v15 =	vor.u32 v1, v22;
	v13 =	vor.u32 v1, v19;
	v19 =	vor.u32 v1, v23  }
0x30: {  	_ =	sdelay $0x3  }
0x31: {  	[tilespmem:v10+s11+$0x0] =	vst.idx.msk $0xffff, v2  }
0x32: {  	[tilespmem:v11+s11+$0x0] =	vst.idx.msk $0xffff, v2  }
0x33: {  	[tilespmem:v12+s11+$0x0] =	vst.idx.msk $0xffff, v2  }
0x34: {  	v10 =	vor.u32 v1, v18;
	[tilespmem:v16+s11+$0x0] =	vst.idx.msk $0xffff, v2  }
0x35: {  	v11 =	vor.u32 v1, v17;
	[tilespmem:v14+s11+$0x0] =	vst.idx.msk $0xffff, v2  }
0x36: {  	[tilespmem:v15+s11+$0x0] =	vst.idx.msk $0xffff, v2  }
0x37: {  	[tilespmem:v13+s11+$0x0] =	vst.idx.msk $0xffff, v2  }
0x38: {  	[tilespmem:v19+s11+$0x0] =	vst.idx.msk $0xffff, v2  }
0x39: {  	[tilespmem:v10+s11+$0x0] =	vst.idx.msk $0xffff, v2  }
0x3a: {  	s21 =	simm.s32 $0x0;
	[tilespmem:v11+s11+$0x0] =	vst.idx.msk $0xffff, v2  }
0x3b: {  	[tilespmem:s21], [sflag:$0x1] =	stream.strided.gather [hbm4b:s5+s12], $0x2800, s13, s12, $0x38;
	[tilespmem:$0x1D880] =	vst v63  }
0x3c: {  	_ = 	snop  }
0x3d: {  	[tilespmem:s14], [sflag:$0x1] =	stream.strided.gather [hbm4b:s6+s12], $0x2800, s13, s12, $0x38;
	[tilespmem:$0x1D880] =	vst v63  }
.LBB2_4:
0x3e: {  	_ =	swait.ge [sflag:s15], $0x2800;
	s22 =	smul.u32 $0xA00, s21  }
0x3f: {  	[sflag:s15] =	ssyncset.done $0x0  }
0x40: {  	[sflag:s15] =	ssyncadd.s32 $0xFFFFD800;
	s23 =	sadd.s32 s22, s7  }
0x41: {  	_ =	swait.ge [sflag:s15], $0x2800;
	s23 =	sshll.u32 s23, $0x4  }
0x42: {  	[sflag:s15] =	ssyncset.done $0x0;
	s23 =	sor.u32 s3, s23  }
0x43: {  	[sflag:s15] =	ssyncadd.s32 $0xFFFFD800;
	s24 =	sadd.s32 s1, s23  }
0x44: {  	[tilespmem:s16], [sflag:$0x2] =	stream.strided.gather [hbm4b:s24+s12], $0x2800, s13, s12, $0x38;
	[tilespmem:$0x1D880] =	vst v63  }
0x45: {  	s23 =	sadd.s32 s2, s23  }
0x46: {  	[tilespmem:s17], [sflag:$0x2] =	stream.strided.gather [hbm4b:s23+s12], $0x2800, s13, s12, $0x38;
	[tilespmem:$0x1D880] =	vst v63  }
0x47: {  	s23 =	simm.s32 $0x0  }
.LBB2_5:
0x48: {  	v10 =	vmov s23  }
0x49: {  	v10 =	vshll.u32 v10, $0x3  }
0x4a: {  	v11 =	vor.u32 v0, v10  }
0x4b: {  	v11 =	vor.u32 v1, v11;
	_ =	sdelay $0x4  }
0x4c: {  	v12 =	vld.idx.msk [tilespmem:v11+s4+$0x0], $0xffff;
	_ =	sdelay $0x4  }
0x4d: {  	v12 =	vshll.u32 v12, $0x3  }
0x4e: {  	v11 =	vld.idx.msk [tilespmem:v11+s14+$0x0], $0xffff;
	v12 =	vor.u32 v1, v12  }
0x4f: {  	v13 =	vor.u32 v9, v10  }
0x50: {  	v13 =	vor.u32 v1, v13;
	_ =	sdelay $0x2  }
0x51: {  	[tilespmem:v12+s11+$0x0] =	vst.idx.add.f32.msk $0xff, v11  }
0x52: {  	[tilespmem:v12+s11+$0x0] =	vst.idx.add.f32.msk vm0, v11  }
0x53: {  	v11 =	vld.idx.msk [tilespmem:v13+s4+$0x0], $0xffff;
	_ =	sdelay $0x4  }
0x54: {  	v11 =	vshll.u32 v11, $0x3  }
0x55: {  	v12 =	vld.idx.msk [tilespmem:v13+s14+$0x0], $0xffff;
	v11 =	vor.u32 v1, v11  }
0x56: {  	v59 =	vor.u32 v8, v10  }
0x57: {  	v13 =	vor.u32 v1, v59;
	_ =	sdelay $0x2  }
0x58: {  	[tilespmem:v11+s11+$0x0] =	vst.idx.add.f32.msk $0xff, v12  }
0x59: {  	[tilespmem:v11+s11+$0x0] =	vst.idx.add.f32.msk vm0, v12  }
0x5a: {  	v11 =	vld.idx.msk [tilespmem:v13+s4+$0x0], $0xffff;
	_ =	sdelay $0x4  }
0x5b: {  	v11 =	vshll.u32 v11, $0x3  }
0x5c: {  	v12 =	vld.idx.msk [tilespmem:v13+s14+$0x0], $0xffff;
	v11 =	vor.u32 v1, v11  }
0x5d: {  	v60 =	vor.u32 v7, v10  }
0x5e: {  	v13 =	vor.u32 v1, v60;
	_ =	sdelay $0x2  }
0x5f: {  	[tilespmem:v11+s11+$0x0] =	vst.idx.add.f32.msk $0xff, v12  }
0x60: {  	[tilespmem:v11+s11+$0x0] =	vst.idx.add.f32.msk vm0, v12  }
0x61: {  	v11 =	vld.idx.msk [tilespmem:v13+s4+$0x0], $0xffff;
	_ =	sdelay $0x4  }
0x62: {  	v11 =	vshll.u32 v11, $0x3  }
0x63: {  	v12 =	vld.idx.msk [tilespmem:v13+s14+$0x0], $0xffff;
	v11 =	vor.u32 v1, v11  }
0x64: {  	v61 =	vor.u32 v6, v10  }
0x65: {  	v13 =	vor.u32 v1, v61;
	_ =	sdelay $0x2  }
0x66: {  	[tilespmem:v11+s11+$0x0] =	vst.idx.add.f32.msk $0xff, v12  }
0x67: {  	[tilespmem:v11+s11+$0x0] =	vst.idx.add.f32.msk vm0, v12  }
0x68: {  	v11 =	vld.idx.msk [tilespmem:v13+s4+$0x0], $0xffff;
	_ =	sdelay $0x4  }
0x69: {  	v11 =	vshll.u32 v11, $0x3  }
0x6a: {  	v12 =	vld.idx.msk [tilespmem:v13+s14+$0x0], $0xffff;
	v11 =	vor.u32 v1, v11  }
0x6b: {  	v62 =	vor.u32 v5, v10  }
0x6c: {  	v13 =	vor.u32 v1, v62;
	_ =	sdelay $0x2  }
0x6d: {  	[tilespmem:v11+s11+$0x0] =	vst.idx.add.f32.msk $0xff, v12  }
0x6e: {  	[tilespmem:v11+s11+$0x0] =	vst.idx.add.f32.msk vm0, v12  }
0x6f: {  	v11 =	vld.idx.msk [tilespmem:v13+s4+$0x0], $0xffff;
	_ =	sdelay $0x4  }
0x70: {  	v11 =	vshll.u32 v11, $0x3  }
0x71: {  	v12 =	vld.idx.msk [tilespmem:v13+s14+$0x0], $0xffff;
	v11 =	vor.u32 v1, v11  }
0x72: {  	v63 =	vor.u32 v4, v10  }
0x73: {  	v13 =	vor.u32 v1, v63;
	_ =	sdelay $0x2  }
0x74: {  	[tilespmem:v11+s11+$0x0] =	vst.idx.add.f32.msk $0xff, v12  }
0x75: {  	[tilespmem:v11+s11+$0x0] =	vst.idx.add.f32.msk vm0, v12  }
0x76: {  	v11 =	vld.idx.msk [tilespmem:v13+s4+$0x0], $0xffff;
	_ =	sdelay $0x4  }
0x77: {  	v11 =	vshll.u32 v11, $0x3  }
0x78: {  	v12 =	vld.idx.msk [tilespmem:v13+s14+$0x0], $0xffff;
	v11 =	vor.u32 v1, v11  }
0x79: {  	v10 =	vor.u32 v3, v10  }
0x7a: {  	v10 =	vor.u32 v1, v10;
	_ =	sdelay $0x2  }
0x7b: {  	[tilespmem:v11+s11+$0x0] =	vst.idx.add.f32.msk $0xff, v12  }
0x7c: {  	[tilespmem:v11+s11+$0x0] =	vst.idx.add.f32.msk vm0, v12  }
0x7d: {  	v11 =	vld.idx.msk [tilespmem:v10+s4+$0x0], $0xffff;
	_ =	sdelay $0x4  }
0x7e: {  	v11 =	vshll.u32 v11, $0x3  }
0x7f: {  	v10 =	vld.idx.msk [tilespmem:v10+s14+$0x0], $0xffff;
	v11 =	vor.u32 v1, v11  }
0x80: {  	p0 =	sne.s32 s23, $0x4F0  }
.Ltmp1:
0x81: {  	_ = 	snop;
	(pc) =	sbr.rel @p0 .LBB2_5-.Ltmp1, $3  }
0x82: {  	_ =	sdelay $0x1  }
0x83: {  	[tilespmem:v11+s11+$0x0] =	vst.idx.add.f32.msk $0xff, v10  }
0x84: {  	s23 =	sadd.s32 $0x10, s23;
	[tilespmem:v11+s11+$0x0] =	vst.idx.add.f32.msk vm0, v10  }
0x85: {  	_ =	swait.ge [sflag:s18], $0x2800  }
0x86: {  	[sflag:s18] =	ssyncset.done $0x0  }
0x87: {  	s22 =	sadd.s32 s22, s8;
	[sflag:s18] =	ssyncadd.s32 $0xFFFFD800  }
0x88: {  	s22 =	sshll.u32 s22, $0x4;
	_ =	swait.ge [sflag:s18], $0x2800  }
0x89: {  	s23 =	sor.u32 s3, s22;
	[sflag:s18] =	ssyncset.done $0x0  }
0x8a: {  	s22 =	simm.s32 $0x0;
	s24 =	sadd.s32 s1, s23;
	[sflag:s18] =	ssyncadd.s32 $0xFFFFD800  }
0x8b: {  	[tilespmem:s22], [sflag:$0x1] =	stream.strided.gather [hbm4b:s24+s12], $0x2800, s13, s12, $0x38;
	[tilespmem:$0x1D880] =	vst v63  }
0x8c: {  	s23 =	sadd.s32 s2, s23  }
0x8d: {  	[tilespmem:s14], [sflag:$0x1] =	stream.strided.gather [hbm4b:s23+s12], $0x2800, s13, s12, $0x38;
	[tilespmem:$0x1D880] =	vst v63  }
.LBB2_7:
0x8e: {  	v10 =	vmov s22  }
0x8f: {  	v10 =	vshll.u32 v10, $0x3  }
0x90: {  	v11 =	vor.u32 v0, v10  }
0x91: {  	v11 =	vor.u32 v1, v11;
	_ =	sdelay $0x4  }
0x92: {  	v12 =	vld.idx.msk [tilespmem:v11+s16+$0x0], $0xffff;
	_ =	sdelay $0x4  }
0x93: {  	v12 =	vshll.u32 v12, $0x3  }
0x94: {  	v11 =	vld.idx.msk [tilespmem:v11+s17+$0x0], $0xffff;
	v12 =	vor.u32 v1, v12  }
0x95: {  	v13 =	vor.u32 v9, v10  }
0x96: {  	v13 =	vor.u32 v1, v13;
	_ =	sdelay $0x2  }
0x97: {  	[tilespmem:v12+s11+$0x0] =	vst.idx.add.f32.msk $0xff, v11  }
0x98: {  	[tilespmem:v12+s11+$0x0] =	vst.idx.add.f32.msk vm0, v11  }
0x99: {  	v11 =	vld.idx.msk [tilespmem:v13+s16+$0x0], $0xffff;
	_ =	sdelay $0x4  }
0x9a: {  	v11 =	vshll.u32 v11, $0x3  }
0x9b: {  	v12 =	vld.idx.msk [tilespmem:v13+s17+$0x0], $0xffff;
	v11 =	vor.u32 v1, v11  }
0x9c: {  	v59 =	vor.u32 v8, v10  }
0x9d: {  	v13 =	vor.u32 v1, v59;
	_ =	sdelay $0x2  }
0x9e: {  	[tilespmem:v11+s11+$0x0] =	vst.idx.add.f32.msk $0xff, v12  }
0x9f: {  	[tilespmem:v11+s11+$0x0] =	vst.idx.add.f32.msk vm0, v12  }
0xa0: {  	v11 =	vld.idx.msk [tilespmem:v13+s16+$0x0], $0xffff;
	_ =	sdelay $0x4  }
0xa1: {  	v11 =	vshll.u32 v11, $0x3  }
0xa2: {  	v12 =	vld.idx.msk [tilespmem:v13+s17+$0x0], $0xffff;
	v11 =	vor.u32 v1, v11  }
0xa3: {  	v60 =	vor.u32 v7, v10  }
0xa4: {  	v13 =	vor.u32 v1, v60;
	_ =	sdelay $0x2  }
0xa5: {  	[tilespmem:v11+s11+$0x0] =	vst.idx.add.f32.msk $0xff, v12  }
0xa6: {  	[tilespmem:v11+s11+$0x0] =	vst.idx.add.f32.msk vm0, v12  }
0xa7: {  	v11 =	vld.idx.msk [tilespmem:v13+s16+$0x0], $0xffff;
	_ =	sdelay $0x4  }
0xa8: {  	v11 =	vshll.u32 v11, $0x3  }
0xa9: {  	v12 =	vld.idx.msk [tilespmem:v13+s17+$0x0], $0xffff;
	v11 =	vor.u32 v1, v11  }
0xaa: {  	v61 =	vor.u32 v6, v10  }
0xab: {  	v13 =	vor.u32 v1, v61;
	_ =	sdelay $0x2  }
0xac: {  	[tilespmem:v11+s11+$0x0] =	vst.idx.add.f32.msk $0xff, v12  }
0xad: {  	[tilespmem:v11+s11+$0x0] =	vst.idx.add.f32.msk vm0, v12  }
0xae: {  	v11 =	vld.idx.msk [tilespmem:v13+s16+$0x0], $0xffff;
	_ =	sdelay $0x4  }
0xaf: {  	v11 =	vshll.u32 v11, $0x3  }
0xb0: {  	v12 =	vld.idx.msk [tilespmem:v13+s17+$0x0], $0xffff;
	v11 =	vor.u32 v1, v11  }
0xb1: {  	v62 =	vor.u32 v5, v10  }
0xb2: {  	v13 =	vor.u32 v1, v62;
	_ =	sdelay $0x2  }
0xb3: {  	[tilespmem:v11+s11+$0x0] =	vst.idx.add.f32.msk $0xff, v12  }
0xb4: {  	[tilespmem:v11+s11+$0x0] =	vst.idx.add.f32.msk vm0, v12  }
0xb5: {  	v11 =	vld.idx.msk [tilespmem:v13+s16+$0x0], $0xffff;
	_ =	sdelay $0x4  }
0xb6: {  	v11 =	vshll.u32 v11, $0x3  }
0xb7: {  	v12 =	vld.idx.msk [tilespmem:v13+s17+$0x0], $0xffff;
	v11 =	vor.u32 v1, v11  }
0xb8: {  	v63 =	vor.u32 v4, v10  }
0xb9: {  	v13 =	vor.u32 v1, v63;
	_ =	sdelay $0x2  }
0xba: {  	[tilespmem:v11+s11+$0x0] =	vst.idx.add.f32.msk $0xff, v12  }
0xbb: {  	[tilespmem:v11+s11+$0x0] =	vst.idx.add.f32.msk vm0, v12  }
0xbc: {  	v11 =	vld.idx.msk [tilespmem:v13+s16+$0x0], $0xffff;
	_ =	sdelay $0x4  }
0xbd: {  	v11 =	vshll.u32 v11, $0x3  }
0xbe: {  	v12 =	vld.idx.msk [tilespmem:v13+s17+$0x0], $0xffff;
	v11 =	vor.u32 v1, v11  }
0xbf: {  	v10 =	vor.u32 v3, v10  }
0xc0: {  	v10 =	vor.u32 v1, v10;
	_ =	sdelay $0x2  }
0xc1: {  	[tilespmem:v11+s11+$0x0] =	vst.idx.add.f32.msk $0xff, v12  }
0xc2: {  	[tilespmem:v11+s11+$0x0] =	vst.idx.add.f32.msk vm0, v12  }
0xc3: {  	v11 =	vld.idx.msk [tilespmem:v10+s16+$0x0], $0xffff;
	_ =	sdelay $0x4  }
0xc4: {  	v11 =	vshll.u32 v11, $0x3  }
0xc5: {  	v10 =	vld.idx.msk [tilespmem:v10+s17+$0x0], $0xffff;
	v11 =	vor.u32 v1, v11  }
0xc6: {  	p0 =	sne.s32 s22, $0x4F0  }
.Ltmp2:
0xc7: {  	_ = 	snop;
	(pc) =	sbr.rel @p0 .LBB2_7-.Ltmp2, $3  }
0xc8: {  	_ =	sdelay $0x1  }
0xc9: {  	[tilespmem:v11+s11+$0x0] =	vst.idx.add.f32.msk $0xff, v10  }
0xca: {  	s22 =	sadd.s32 $0x10, s22;
	[tilespmem:v11+s11+$0x0] =	vst.idx.add.f32.msk vm0, v10  }
0xcb: {  	s21 =	sadd.s32 $0x1, s21  }
0xcc: {  	p0 =	sne.s32 s21, $0x3E  }
.Ltmp3:
0xcd: {  	_ = 	snop;
	(pc) =	sbr.rel @p0 .LBB2_4-.Ltmp3, $1  }
0xce: {  	_ =	sdelay $0x3  }
0xcf: {  	_ =	swait.ge [sflag:s15], $0x2800  }
0xd0: {  	[sflag:s15] =	ssyncset.done $0x0  }
0xd1: {  	[sflag:s15] =	ssyncadd.s32 $0xFFFFD800  }
0xd2: {  	_ =	swait.ge [sflag:s15], $0x2800  }
0xd3: {  	[sflag:s15] =	ssyncset.done $0x0  }
0xd4: {  	s21 =	simm.s32 $0x0;
	[sflag:s15] =	ssyncadd.s32 $0xFFFFD800  }
.LBB2_10:
0xd5: {  	v10 =	vmov s21  }
0xd6: {  	v10 =	vshll.u32 v10, $0x3  }
0xd7: {  	v11 =	vor.u32 v0, v10  }
0xd8: {  	v11 =	vor.u32 v1, v11;
	_ =	sdelay $0x4  }
0xd9: {  	v12 =	vld.idx.msk [tilespmem:v11+s4+$0x0], $0xffff;
	_ =	sdelay $0x4  }
0xda: {  	v12 =	vshll.u32 v12, $0x3  }
0xdb: {  	v11 =	vld.idx.msk [tilespmem:v11+s14+$0x0], $0xffff;
	v12 =	vor.u32 v1, v12  }
0xdc: {  	v13 =	vor.u32 v9, v10  }
0xdd: {  	v13 =	vor.u32 v1, v13;
	_ =	sdelay $0x2  }
0xde: {  	[tilespmem:v12+s11+$0x0] =	vst.idx.add.f32.msk $0xff, v11  }
0xdf: {  	[tilespmem:v12+s11+$0x0] =	vst.idx.add.f32.msk vm0, v11  }
0xe0: {  	v11 =	vld.idx.msk [tilespmem:v13+s4+$0x0], $0xffff;
	_ =	sdelay $0x4  }
0xe1: {  	v11 =	vshll.u32 v11, $0x3  }
0xe2: {  	v12 =	vld.idx.msk [tilespmem:v13+s14+$0x0], $0xffff;
	v11 =	vor.u32 v1, v11  }
0xe3: {  	v59 =	vor.u32 v8, v10  }
0xe4: {  	v13 =	vor.u32 v1, v59;
	_ =	sdelay $0x2  }
0xe5: {  	[tilespmem:v11+s11+$0x0] =	vst.idx.add.f32.msk $0xff, v12  }
0xe6: {  	[tilespmem:v11+s11+$0x0] =	vst.idx.add.f32.msk vm0, v12  }
0xe7: {  	v11 =	vld.idx.msk [tilespmem:v13+s4+$0x0], $0xffff;
	_ =	sdelay $0x4  }
0xe8: {  	v11 =	vshll.u32 v11, $0x3  }
0xe9: {  	v12 =	vld.idx.msk [tilespmem:v13+s14+$0x0], $0xffff;
	v11 =	vor.u32 v1, v11  }
0xea: {  	v60 =	vor.u32 v7, v10  }
0xeb: {  	v13 =	vor.u32 v1, v60;
	_ =	sdelay $0x2  }
0xec: {  	[tilespmem:v11+s11+$0x0] =	vst.idx.add.f32.msk $0xff, v12  }
0xed: {  	[tilespmem:v11+s11+$0x0] =	vst.idx.add.f32.msk vm0, v12  }
0xee: {  	v11 =	vld.idx.msk [tilespmem:v13+s4+$0x0], $0xffff;
	_ =	sdelay $0x4  }
0xef: {  	v11 =	vshll.u32 v11, $0x3  }
0xf0: {  	v12 =	vld.idx.msk [tilespmem:v13+s14+$0x0], $0xffff;
	v11 =	vor.u32 v1, v11  }
0xf1: {  	v61 =	vor.u32 v6, v10  }
0xf2: {  	v13 =	vor.u32 v1, v61;
	_ =	sdelay $0x2  }
0xf3: {  	[tilespmem:v11+s11+$0x0] =	vst.idx.add.f32.msk $0xff, v12  }
0xf4: {  	[tilespmem:v11+s11+$0x0] =	vst.idx.add.f32.msk vm0, v12  }
0xf5: {  	v11 =	vld.idx.msk [tilespmem:v13+s4+$0x0], $0xffff;
	_ =	sdelay $0x4  }
0xf6: {  	v11 =	vshll.u32 v11, $0x3  }
0xf7: {  	v12 =	vld.idx.msk [tilespmem:v13+s14+$0x0], $0xffff;
	v11 =	vor.u32 v1, v11  }
0xf8: {  	v62 =	vor.u32 v5, v10  }
0xf9: {  	v13 =	vor.u32 v1, v62;
	_ =	sdelay $0x2  }
0xfa: {  	[tilespmem:v11+s11+$0x0] =	vst.idx.add.f32.msk $0xff, v12  }
0xfb: {  	[tilespmem:v11+s11+$0x0] =	vst.idx.add.f32.msk vm0, v12  }
0xfc: {  	v11 =	vld.idx.msk [tilespmem:v13+s4+$0x0], $0xffff;
	_ =	sdelay $0x4  }
0xfd: {  	v11 =	vshll.u32 v11, $0x3  }
0xfe: {  	v12 =	vld.idx.msk [tilespmem:v13+s14+$0x0], $0xffff;
	v11 =	vor.u32 v1, v11  }
0xff: {  	v63 =	vor.u32 v4, v10  }
0x100: {  	v13 =	vor.u32 v1, v63;
	_ =	sdelay $0x2  }
0x101: {  	[tilespmem:v11+s11+$0x0] =	vst.idx.add.f32.msk $0xff, v12  }
0x102: {  	[tilespmem:v11+s11+$0x0] =	vst.idx.add.f32.msk vm0, v12  }
0x103: {  	v11 =	vld.idx.msk [tilespmem:v13+s4+$0x0], $0xffff;
	_ =	sdelay $0x4  }
0x104: {  	v11 =	vshll.u32 v11, $0x3  }
0x105: {  	v12 =	vld.idx.msk [tilespmem:v13+s14+$0x0], $0xffff;
	v11 =	vor.u32 v1, v11  }
0x106: {  	v10 =	vor.u32 v3, v10  }
0x107: {  	v10 =	vor.u32 v1, v10;
	_ =	sdelay $0x2  }
0x108: {  	[tilespmem:v11+s11+$0x0] =	vst.idx.add.f32.msk $0xff, v12  }
0x109: {  	[tilespmem:v11+s11+$0x0] =	vst.idx.add.f32.msk vm0, v12  }
0x10a: {  	v11 =	vld.idx.msk [tilespmem:v10+s4+$0x0], $0xffff;
	_ =	sdelay $0x4  }
0x10b: {  	v11 =	vshll.u32 v11, $0x3  }
0x10c: {  	v10 =	vld.idx.msk [tilespmem:v10+s14+$0x0], $0xffff;
	v11 =	vor.u32 v1, v11  }
0x10d: {  	p0 =	sne.s32 s21, $0x4F0  }
.Ltmp4:
0x10e: {  	_ = 	snop;
	(pc) =	sbr.rel @p0 .LBB2_10-.Ltmp4, $3  }
0x10f: {  	_ =	sdelay $0x1  }
0x110: {  	[tilespmem:v11+s11+$0x0] =	vst.idx.add.f32.msk $0xff, v10  }
0x111: {  	s21 =	sadd.s32 $0x10, s21;
	[tilespmem:v11+s11+$0x0] =	vst.idx.add.f32.msk vm0, v10  }
0x112: {  	s20 =	sadd.s32 $0x1, s20  }
0x113: {  	p0 =	sne.s32 s20, s10  }
.Ltmp5:
0x114: {  	_ = 	snop;
	(pc) =	sbr.rel @p0 .LBB2_1-.Ltmp5, $4  }
0x115: {  	[hbm4b:s9+s12] =	stream.strided.scatter [tilespmem:s11], [sflag:$0x3], $0x13880, s13, s12, $0x38;
	[tilespmem:$0x1D880] =	vst v63  }
0x116: {  	_ =	swait.ge [sflag:s19], $0x13880  }
0x117: {  	[sflag:s19] =	ssyncset.done $0x0  }
0x118: {  	[sflag:s19] =	ssyncadd.s32 $0xFFFEC780  }
0x119: {  	_ =	sfence.sel $0x180000  }
0x11a: {  	[bflag:$0x0] =	sbarrier.arrive $0xFFFF  }
0x11b: {  	p0 =	sne.s32 s3, $0x0;
	_ =	strace $0x90000047  }
0x11c: {  	s0 =	sadd.s32 @!p0 $0x100000, s0;
	[bflag:$0x2] =	sbarrier.arrive $0xFFFF  }
0x11d: {  	[sflag:s0] =	ssyncadd.tile.s32 @!p0 $0x1;
	_ =	shalt  }
.Lfunc_end2:
_tile_overlayer_lowered:
.L_overlay_start_2:
0x11e: {  	(tag) =	ssettag $0x2  }
0x11f: {  	s0 =	rddreg [dreg:$0x0];
	s2 =	stileid.u32  }
0x120: {  	s1 =	rddreg [dreg:$0x1];
	p0 =	sne.s32 s2, $0x0  }
0x121: {  	s3 =	rddreg [dreg:$0x2];
	[bflag:$0x3] =	sbarrier.arrive $0xFFFF;
	s2 =	simm.s32 @!p0 $0x1C03  }
0x122: {  	[timem:s3], [sflag:s2] =	dma.local @!p0 [hbm:s0], s1  }
0x123: {  	s0 =	simm.s32 @!p0 $0x3  }
0x124: {  	_ =	swait.ge @!p0 [sflag:s0], s1  }
0x125: {  	s1 =	ssub.s32 @!p0 $0x0, s1;
	[sflag:s0] =	ssyncset.done @!p0 $0x0  }
0x126: {  	[sflag:s0] =	ssyncadd.s32 @!p0 s1  }
0x127: {  	[bflag:$0x3] =	sbarrier.arrive $0xFFFF  }
0x128: {  	_ =	shalt  }

</sc_bundles>
